<compile_context>
chip_gen: v7x
topology: tpu7x:2x2x1
jax: 0.10.2.dev20260603
libtpu: 0.0.44.dev20260713+nightly
codegen_flags: <defaults>
</compile_context>

<pallas_src>
import jax
import jax.numpy as jnp
from jax import lax
from jax.experimental import pallas as pl
from jax.experimental.pallas import tpu as pltpu
from jax.experimental.pallas import tpu_sc as plsc

N = 10000
E = 160000
H = 256
C = 10
R = 16
G = 64
NR = N * R
EPS = 1e-5

BN_ROWS = 1000
NBLK = N // BN_ROWS
BE = 32000
NEB = E // BE
N_SUB = 16
E_PER_SUB = E // N_SUB
CHUNK = 80
NPAD = 10240
ROWS_PER_SUB = NPAD // N_SUB


def _edge_prep_body(attr_ref, src_ref, g_ref):
    a = attr_ref[...]
    mx = jnp.max(a, axis=0, keepdims=True)
    ids = lax.broadcasted_iota(jnp.int32, (R, BE), 0)
    t = jnp.min(jnp.where(a == mx, ids, R), axis=0)
    g = t * N + src_ref[0, 0, :]
    g_ref[0, 0, 0, :] = g
    g_ref[1, 0, 0, :] = g + NR


def _edge_prep(edge_attr, src):
    src3 = src.reshape(NEB, 1, BE)
    attr_t = edge_attr.T
    g2 = pl.pallas_call(
        _edge_prep_body,
        grid=(NEB,),
        in_specs=[
            pl.BlockSpec((R, BE), lambda i: (0, i)),
            pl.BlockSpec((1, 1, BE), lambda i: (i, 0, 0)),
        ],
        out_specs=pl.BlockSpec((2, 1, 1, BE), lambda i: (0, i, 0, 0)),
        out_shape=jax.ShapeDtypeStruct((2, NEB, 1, BE), jnp.int32),
    )(attr_t, src3)
    return g2.reshape(2 * E)


def _bn_relu_full(p, g, bt):
    m = jnp.sum(p, axis=0, keepdims=True) / N
    d = p - m
    v = jnp.sum(d * d, axis=0, keepdims=True) / N
    scale = g * lax.rsqrt(v + EPS)
    return jnp.maximum(d * scale + bt, 0.0)


def _pool_sorted(h, batch_ref):
    pooled = jnp.zeros((G, H), jnp.float32)
    cnts = jnp.zeros((G, 128), jnp.float32)
    ones = jnp.ones((BN_ROWS, 128), jnp.float32)
    for i in range(NBLK):
        b = batch_ref[i, 0, :]
        oh = (lax.broadcasted_iota(jnp.int32, (G, BN_ROWS), 0)
              == b[None, :]).astype(jnp.float32)
        pooled += jnp.dot(oh, h[i * BN_ROWS:(i + 1) * BN_ROWS],
                          preferred_element_type=jnp.float32)
        cnts += jnp.dot(oh, ones, preferred_element_type=jnp.float32)
    return pooled, cnts


def _mlp1_body(x_ref, w1_ref, b1_ref, g1_ref, bt1_ref, w2_ref, b2_ref,
               g2_ref, bt2_ref, batch_ref, h2_ref, pool_ref, cnt_ref):
    p1 = jnp.dot(x_ref[...], w1_ref[...],
                 preferred_element_type=jnp.float32) + b1_ref[...]
    h1 = _bn_relu_full(p1, g1_ref[...], bt1_ref[...])
    p2 = jnp.dot(h1, w2_ref[...],
                 preferred_element_type=jnp.float32) + b2_ref[...]
    h2 = _bn_relu_full(p2, g2_ref[...], bt2_ref[...])
    h2_ref[...] = h2
    pooled, cnts = _pool_sorted(h2, batch_ref)
    pool_ref[...] = pooled
    cnt_ref[...] = cnts


def _mlp1(x, W1, b1, g1, bt1, W2, b2, g2, bt2, batch3):
    return pl.pallas_call(
        _mlp1_body,
        out_shape=[
            jax.ShapeDtypeStruct((N, H), jnp.float32),
            jax.ShapeDtypeStruct((G, H), jnp.float32),
            jax.ShapeDtypeStruct((G, 128), jnp.float32),
        ],
    )(x, W1, b1.reshape(1, -1), g1.reshape(1, -1), bt1.reshape(1, -1),
      W2, b2.reshape(1, -1), g2.reshape(1, -1), bt2.reshape(1, -1), batch3)


def _tail_body(h2_ref, wr_ref, cb_ref, agg_ref, w3_ref, b3_ref, g3_ref,
               bt3_ref, w4_ref, b4_ref, g4_ref, bt4_ref, batch_ref,
               pool2_ref, cnt_ref, w0_ref, bb0_ref, wl1_ref, bb1_ref, o_ref):
    root = jnp.dot(h2_ref[...], wr_ref[...],
                   preferred_element_type=jnp.float32) + cb_ref[...]
    conv = root + jnp.concatenate(
        [agg_ref[0, 0:N, :], agg_ref[1, 0:N, :]], axis=1)
    p3 = jnp.dot(conv, w3_ref[...],
                 preferred_element_type=jnp.float32) + b3_ref[...]
    h3 = _bn_relu_full(p3, g3_ref[...], bt3_ref[...])
    p4 = jnp.dot(h3, w4_ref[...],
                 preferred_element_type=jnp.float32) + b4_ref[...]
    h4 = _bn_relu_full(p4, g4_ref[...], bt4_ref[...])
    pooled4, _ = _pool_sorted(h4, batch_ref)
    out0 = (jnp.dot(pool2_ref[...], w0_ref[...],
                    preferred_element_type=jnp.float32,
                    precision=lax.Precision.HIGHEST)
            + cnt_ref[:, 0:1] * bb0_ref[...])
    out1 = (jnp.dot(pooled4, wl1_ref[...],
                    preferred_element_type=jnp.float32,
                    precision=lax.Precision.HIGHEST) + bb1_ref[...])
    logits = out0 + out1
    logits = logits - jnp.max(logits, axis=1, keepdims=True)
    o_ref[...] = logits - jnp.log(jnp.sum(jnp.exp(logits), axis=1,
                                          keepdims=True))


def _tail(h2, Wroot, conv_b, agg, W3, b3, g3, bt3, W4, b4, g4, bt4, batch3,
          pool2, counts, lin0_W, lin0_b, lin1_W, lin1_b):
    return pl.pallas_call(
        _tail_body,
        out_shape=jax.ShapeDtypeStruct((G, C), jnp.float32),
    )(h2, Wroot, conv_b.reshape(1, -1), agg,
      W3, b3.reshape(1, -1), g3.reshape(1, -1), bt3.reshape(1, -1),
      W4, b4.reshape(1, -1), g4.reshape(1, -1), bt4.reshape(1, -1), batch3,
      pool2, counts, lin0_W, lin0_b.reshape(1, -1),
      lin1_W, lin1_b.reshape(1, -1))


def _rel_body(h_ref, wc_ref, t_ref):
    res = jnp.dot(h_ref[...], wc_ref[0], preferred_element_type=jnp.float32)
    for r in range(R):
        t_ref[0, r] = res[:, r * 128:(r + 1) * 128]


def _rel_transform(h2, wcat2):
    return pl.pallas_call(
        _rel_body,
        grid=(2, NBLK),
        in_specs=[
            pl.BlockSpec((BN_ROWS, H), lambda hf, i: (i, 0)),
            pl.BlockSpec((1, H, R * 128), lambda hf, i: (hf, 0, 0)),
        ],
        out_specs=pl.BlockSpec((1, R, BN_ROWS, 128),
                               lambda hf, i: (hf, 0, i, 0)),
        out_shape=jax.ShapeDtypeStruct((2, R, N, 128), jnp.float32),
    )(h2, wcat2)


NCHUNK = E_PER_SUB // CHUNK


def _sc_agg_body(t_hbm, gidx_hbm, dst_hbm, zeros_hbm, out_hbm,
                 rows0, rows1, rows2, rows3, gc0, gc1, gc2, gc3,
                 dc0, dc1, dc2, dc3, acc_sh,
                 sem0, sem1, sem2, sem3, isem0, isem1, isem2, isem3):
    c = lax.axis_index("c")
    s = lax.axis_index("s")
    z0 = s * ROWS_PER_SUB
    pltpu.sync_copy(zeros_hbm, acc_sh.at[pl.ds(z0, ROWS_PER_SUB)])
    plsc.subcore_barrier()

    rows = (rows0, rows1, rows2, rows3)
    gcs = (gc0, gc1, gc2, gc3)
    dcs = (dc0, dc1, dc2, dc3)
    sems = (sem0, sem1, sem2, sem3)
    isems = (isem0, isem1, isem2, isem3)
    gbase = c * E + s * E_PER_SUB
    dbase = s * E_PER_SUB

    def istart(t, p):
        pltpu.async_copy(gidx_hbm.at[pl.ds(gbase + t * CHUNK, CHUNK)],
                         gcs[p], isems[p])
        pltpu.async_copy(dst_hbm.at[pl.ds(dbase + t * CHUNK, CHUNK)],
                         dcs[p], isems[p])

    def iwait(t, p):
        pltpu.make_async_copy(gidx_hbm.at[pl.ds(gbase + t * CHUNK, CHUNK)],
                              gcs[p], isems[p]).wait()
        pltpu.make_async_copy(dst_hbm.at[pl.ds(dbase + t * CHUNK, CHUNK)],
                              dcs[p], isems[p]).wait()

    def gstart(t, p):
        pltpu.async_copy(t_hbm.at[gcs[p]], rows[p], sems[p])

    def gwait(t, p):
        pltpu.make_async_copy(t_hbm.at[gcs[p]], rows[p], sems[p]).wait()

    def scatter(p):
        pltpu.sync_copy(rows[p], acc_sh.at[dcs[p]], add=True)

    for q in range(4):
        istart(q, q)
    for q in range(2):
        iwait(q, q)
        gstart(q, q)

    @pl.loop(0, NCHUNK - 1, step=4)
    def _(t):
        for q in range(4):
            gwait(t + q, q)

            @pl.when(t + q + 2 < NCHUNK)
            def _():
                iwait(t + q + 2, (q + 2) % 4)
                gstart(t + q + 2, (q + 2) % 4)

            scatter(q)

            @pl.when(t + q + 4 < NCHUNK)
            def _():
                istart(t + q + 4, q)

    gwait(NCHUNK - 1, 0)
    scatter(0)

    plsc.subcore_barrier()
    pltpu.sync_copy(acc_sh.at[pl.ds(z0, ROWS_PER_SUB)],
                    out_hbm.at[pl.ds(c * NPAD + z0, ROWS_PER_SUB)])


def _sc_aggregate(t_flat, gidx2, dst, zeros):
    mesh = plsc.VectorSubcoreMesh(core_axis_name="c", subcore_axis_name="s")
    fn = pl.kernel(
        _sc_agg_body,
        out_type=jax.ShapeDtypeStruct((2 * NPAD, 128), jnp.float32),
        mesh=mesh,
        scratch_types=(
            [pltpu.VMEM((CHUNK, 128), jnp.float32)] * 4
            + [pltpu.VMEM((CHUNK,), jnp.int32)] * 8
            + [pltpu.VMEM_SHARED((NPAD, 128), jnp.float32)]
            + [pltpu.SemaphoreType.DMA] * 8
        ),
    )
    return fn(t_flat, gidx2, dst, zeros)


def kernel(x, edge_index, edge_attr, batch, W1, b1, g1, bt1, W2, b2, g2, bt2,
           lin0_W, lin0_b, Wrel, Wroot, conv_b, W3, b3, g3, bt3,
           W4, b4, g4, bt4, lin1_W, lin1_b):
    src = edge_index[0]
    dst = edge_index[1]
    batch3 = batch.reshape(NBLK, 1, BN_ROWS)

    wcat2 = (Wrel.reshape(R, H, 2, 128).transpose(2, 1, 0, 3)
             .reshape(2, H, R * 128))

    gidx2 = _edge_prep(edge_attr, src)

    h2, pool2, counts = _mlp1(x, W1, b1, g1, bt1, W2, b2, g2, bt2, batch3)

    t_arr = _rel_transform(h2, wcat2)
    t_flat = t_arr.reshape(2 * NR, 128)

    zeros = jnp.zeros((ROWS_PER_SUB, 128), jnp.float32)
    agg = _sc_aggregate(t_flat, gidx2, dst, zeros).reshape(2, NPAD, 128)

    return _tail(h2, Wroot, conv_b, agg, W3, b3, g3, bt3, W4, b4, g4, bt4,
                 batch3, pool2, counts, lin0_W, lin0_b, lin1_W, lin1_b)

# --- scband reference (transcript-rebuilt; emitter-appended) ---
"""Pipeline reference for scband-rgin-17179869545 (READ-ONLY COPY).

The authoritative reference and input builder live on the scoring server;
editing this copy changes nothing except your own understanding.
"""

import jax, jax.numpy as jnp
import numpy as np

N = 10000
E = 160000
F_IN = 256
H = 256
C = 10
R = 16
G = 64

def _lin(key, fan_in, fan_out):
    return jax.random.normal(key, (fan_in, fan_out), jnp.float32) * (1.0 / np.sqrt(fan_in))

def setup_inputs(seed: int = 0):
    key = jax.random.key(seed)
    ks = jax.random.split(key, 16)
    inp = {}
    inp["x"] = jax.random.normal(ks[0], (N, F_IN), jnp.float32)
    inp["edge_index"] = jax.random.randint(ks[1], (2, E), 0, N, dtype=jnp.int32)
    inp["edge_attr"] = jax.random.normal(ks[2], (E, R), jnp.float32)
    inp["batch"] = jnp.sort(jax.random.randint(ks[3], (N,), 0, G, dtype=jnp.int32))
    inp["W1"] = _lin(ks[4], F_IN, H); inp["b1"] = jnp.zeros((H,), jnp.float32)
    inp["g1"] = jnp.ones((H,), jnp.float32); inp["bt1"] = jnp.zeros((H,), jnp.float32)
    inp["W2"] = _lin(ks[5], H, H); inp["b2"] = jnp.zeros((H,), jnp.float32)
    inp["g2"] = jnp.ones((H,), jnp.float32); inp["bt2"] = jnp.zeros((H,), jnp.float32)
    inp["lin0_W"] = _lin(ks[6], H, C); inp["lin0_b"] = jnp.zeros((C,), jnp.float32)
    inp["Wrel"] = jax.random.normal(ks[7], (R, H, H), jnp.float32) * (1.0 / np.sqrt(H))
    inp["Wroot"] = _lin(ks[8], H, H); inp["conv_b"] = jnp.zeros((H,), jnp.float32)
    inp["W3"] = _lin(ks[9], H, H); inp["b3"] = jnp.zeros((H,), jnp.float32)
    inp["g3"] = jnp.ones((H,), jnp.float32); inp["bt3"] = jnp.zeros((H,), jnp.float32)
    inp["W4"] = _lin(ks[10], H, H); inp["b4"] = jnp.zeros((H,), jnp.float32)
    inp["g4"] = jnp.ones((H,), jnp.float32); inp["bt4"] = jnp.zeros((H,), jnp.float32)
    inp["lin1_W"] = _lin(ks[11], H, C); inp["lin1_b"] = jnp.zeros((C,), jnp.float32)
    return inp

def _bn(h, g, b):
    m = h.mean(axis=0)
    v = h.var(axis=0)
    return g * (h - m) / jnp.sqrt(v + 1e-5) + b

def reference(x, edge_index, edge_attr, batch, W1, b1, g1, bt1, W2, b2, g2, bt2, lin0_W, lin0_b, Wrel, Wroot, conv_b, W3, b3, g3, bt3, W4, b4, g4, bt4, lin1_W, lin1_b):
    # edge_type from one-hot-ish edge_attr (argmax over d_edge)
    edge_type = jnp.argmax(edge_attr, axis=1)
    src = edge_index[0]
    dst = edge_index[1]
    # layer 0: first_h MLP (Linear-BN-ReLU-Linear-BN-ReLU), readout with linears[0]
    h = jax.nn.relu(_bn(x @ W1 + b1, g1, bt1))
    h = jax.nn.relu(_bn(h @ W2 + b2, g2, bt2))
    out = jax.ops.segment_sum(h @ lin0_W + lin0_b, batch, num_segments=G)
    # layer 1: RGCNConv(nhid, nhid, num_relations, aggr='add')
    msgs = h[src]
    conv_out = h @ Wroot + conv_b
    for r in range(R):
        mask = (edge_type == r)
        agg_r = jax.ops.segment_sum(jnp.where(mask[:, None], msgs, 0.0), dst, num_segments=N)
        conv_out = conv_out + agg_r @ Wrel[r]
    # GIN-style MLP after conv
    h = jax.nn.relu(_bn(conv_out @ W3 + b3, g3, bt3))
    h = jax.nn.relu(_bn(h @ W4 + b4, g4, bt4))
    # pool then linear for layer>0 (matches torch ordering); dropout treated as identity
    out = out + (jax.ops.segment_sum(h, batch, num_segments=G) @ lin1_W + lin1_b)
    return jax.nn.log_softmax(out, axis=-1)

if __name__ == "__main__":
    import jax
    _d = setup_inputs()
    print(jax.jit(kernel)(*tuple(_d.values())))

</pallas_src>

<mosaic_0001>
#map = affine_map<(d0, d1) -> (0, 0)>
#map1 = affine_map<(d0, d1) -> (0)>
module attributes {stable_mosaic.version = 14 : i64} {
  func.func @_sc_agg_body(%arg0: i32, %arg1: i32, %arg2: memref<320000x128xf32, #tpu.memory_space<hbm>>, %arg3: memref<320000xi32, #tpu.memory_space<hbm>>, %arg4: memref<160000xi32, #tpu.memory_space<hbm>>, %arg5: memref<640x128xf32, #tpu.memory_space<hbm>>, %arg6: memref<20480x128xf32, #tpu.memory_space<hbm>>, %arg7: memref<80x128xf32, #tpu.memory_space<vmem>>, %arg8: memref<80x128xf32, #tpu.memory_space<vmem>>, %arg9: memref<80x128xf32, #tpu.memory_space<vmem>>, %arg10: memref<80x128xf32, #tpu.memory_space<vmem>>, %arg11: memref<80xi32, #tpu.memory_space<vmem>>, %arg12: memref<80xi32, #tpu.memory_space<vmem>>, %arg13: memref<80xi32, #tpu.memory_space<vmem>>, %arg14: memref<80xi32, #tpu.memory_space<vmem>>, %arg15: memref<80xi32, #tpu.memory_space<vmem>>, %arg16: memref<80xi32, #tpu.memory_space<vmem>>, %arg17: memref<80xi32, #tpu.memory_space<vmem>>, %arg18: memref<80xi32, #tpu.memory_space<vmem>>, %arg19: memref<10240x128xf32, #tpu.memory_space<vmem_shared>>, %arg20: memref<!tpu.dma_semaphore, #tpu.memory_space<semaphore_mem>>, %arg21: memref<!tpu.dma_semaphore, #tpu.memory_space<semaphore_mem>>, %arg22: memref<!tpu.dma_semaphore, #tpu.memory_space<semaphore_mem>>, %arg23: memref<!tpu.dma_semaphore, #tpu.memory_space<semaphore_mem>>, %arg24: memref<!tpu.dma_semaphore, #tpu.memory_space<semaphore_mem>>, %arg25: memref<!tpu.dma_semaphore, #tpu.memory_space<semaphore_mem>>, %arg26: memref<!tpu.dma_semaphore, #tpu.memory_space<semaphore_mem>>, %arg27: memref<!tpu.dma_semaphore, #tpu.memory_space<semaphore_mem>>) attributes {dimension_semantics = [#tpu.dimension_semantics<core_parallel>, #tpu.dimension_semantics<subcore_parallel>], iteration_bounds = array<i64: 2, 16>, scalar_prefetch = 0 : i64, scratch_operands = 21 : i64, tpu.core_type = #tpu.core_type<sc_vector_subcore>, window_params = [{transform_indices = #map}, {transform_indices = #map1}, {transform_indices = #map1}, {transform_indices = #map}, {transform_indices = #map}]} {
    %mul3A = arith.constant 640 : i32
    %mul3A_0 = arith.muli %arg1, %mul3A : i32
    "tpu.region"() ({
      %run_scoped3A = tpu.sem_alloc : memref<!tpu.dma_semaphore, #tpu.memory_space<semaphore_mem>>
      %dma_start3A_70 = arith.constant 0 : i32
      %dma_start3A_71 = tpu.memref_slice %arg19[%mul3A_0, %dma_start3A_70] : memref<10240x128xf32, #tpu.memory_space<vmem_shared>> -> memref<640x128xf32, #tpu.memory_space<vmem_shared>>
      tpu.enqueue_dma source(%arg5 : memref<640x128xf32, #tpu.memory_space<hbm>>) target(%dma_start3A_71 : memref<640x128xf32, #tpu.memory_space<vmem_shared>>) target_semaphore(%run_scoped3A : memref<!tpu.dma_semaphore, #tpu.memory_space<semaphore_mem>>)
      %dma_wait3A_72 = arith.constant 0 : i32
      %dma_wait3A_73 = tpu.memref_slice %arg19[%mul3A_0, %dma_wait3A_72] : memref<10240x128xf32, #tpu.memory_space<vmem_shared>> -> memref<640x128xf32, #tpu.memory_space<vmem_shared>>
      tpu.wait_dma2 semaphore(%run_scoped3A : memref<!tpu.dma_semaphore, #tpu.memory_space<semaphore_mem>>) src(%arg5 : memref<640x128xf32, #tpu.memory_space<hbm>>) dst(%dma_wait3A_73 : memref<640x128xf32, #tpu.memory_space<vmem_shared>>)
      tpu.yield
    }) : () -> ()
    %barrier3A = arith.constant 0 : index
    tpu.barrier barrier_id(%barrier3A)
    %mul3A_1 = arith.constant 160000 : i32
    %mul3A_2 = arith.muli %arg0, %mul3A_1 : i32
    %mul3A_3 = arith.constant 10000 : i32
    %mul3A_4 = arith.muli %arg1, %mul3A_3 : i32
    %add3A = arith.addi %mul3A_2, %mul3A_4 : i32
    %mul3A_5 = arith.constant 10000 : i32
    %mul3A_6 = arith.muli %arg1, %mul3A_5 : i32
    %add3A_7 = arith.constant 0 : i32
    %add3A_8 = arith.addi %add3A, %add3A_7 : i32
    %dma_start3A = tpu.memref_slice %arg3[%add3A_8] : memref<320000xi32, #tpu.memory_space<hbm>> -> memref<80xi32, #tpu.memory_space<hbm>>
    %dma_start3A_9 = tpu.memref_slice %arg3[%add3A_8] : memref<320000xi32, #tpu.memory_space<hbm>> -> memref<80xi32, #tpu.memory_space<hbm>>
    tpu.enqueue_dma source(%dma_start3A_9 : memref<80xi32, #tpu.memory_space<hbm>>) target(%arg11 : memref<80xi32, #tpu.memory_space<vmem>>) target_semaphore(%arg24 : memref<!tpu.dma_semaphore, #tpu.memory_space<semaphore_mem>>)
    %add3A_10 = arith.constant 0 : i32
    %add3A_11 = arith.addi %mul3A_6, %add3A_10 : i32
    %dma_start3A_12 = tpu.memref_slice %arg4[%add3A_11] : memref<160000xi32, #tpu.memory_space<hbm>> -> memref<80xi32, #tpu.memory_space<hbm>>
    %dma_start3A_13 = tpu.memref_slice %arg4[%add3A_11] : memref<160000xi32, #tpu.memory_space<hbm>> -> memref<80xi32, #tpu.memory_space<hbm>>
    tpu.enqueue_dma source(%dma_start3A_13 : memref<80xi32, #tpu.memory_space<hbm>>) target(%arg15 : memref<80xi32, #tpu.memory_space<vmem>>) target_semaphore(%arg24 : memref<!tpu.dma_semaphore, #tpu.memory_space<semaphore_mem>>)
    %add3A_14 = arith.constant 80 : i32
    %add3A_15 = arith.addi %add3A, %add3A_14 : i32
    %dma_start3A_16 = tpu.memref_slice %arg3[%add3A_15] : memref<320000xi32, #tpu.memory_space<hbm>> -> memref<80xi32, #tpu.memory_space<hbm>>
    %dma_start3A_17 = tpu.memref_slice %arg3[%add3A_15] : memref<320000xi32, #tpu.memory_space<hbm>> -> memref<80xi32, #tpu.memory_space<hbm>>
    tpu.enqueue_dma source(%dma_start3A_17 : memref<80xi32, #tpu.memory_space<hbm>>) target(%arg12 : memref<80xi32, #tpu.memory_space<vmem>>) target_semaphore(%arg25 : memref<!tpu.dma_semaphore, #tpu.memory_space<semaphore_mem>>)
    %add3A_18 = arith.constant 80 : i32
    %add3A_19 = arith.addi %mul3A_6, %add3A_18 : i32
    %dma_start3A_20 = tpu.memref_slice %arg4[%add3A_19] : memref<160000xi32, #tpu.memory_space<hbm>> -> memref<80xi32, #tpu.memory_space<hbm>>
    %dma_start3A_21 = tpu.memref_slice %arg4[%add3A_19] : memref<160000xi32, #tpu.memory_space<hbm>> -> memref<80xi32, #tpu.memory_space<hbm>>
    tpu.enqueue_dma source(%dma_start3A_21 : memref<80xi32, #tpu.memory_space<hbm>>) target(%arg16 : memref<80xi32, #tpu.memory_space<vmem>>) target_semaphore(%arg25 : memref<!tpu.dma_semaphore, #tpu.memory_space<semaphore_mem>>)
    %add3A_22 = arith.constant 160 : i32
    %add3A_23 = arith.addi %add3A, %add3A_22 : i32
    %dma_start3A_24 = tpu.memref_slice %arg3[%add3A_23] : memref<320000xi32, #tpu.memory_space<hbm>> -> memref<80xi32, #tpu.memory_space<hbm>>
    %dma_start3A_25 = tpu.memref_slice %arg3[%add3A_23] : memref<320000xi32, #tpu.memory_space<hbm>> -> memref<80xi32, #tpu.memory_space<hbm>>
    tpu.enqueue_dma source(%dma_start3A_25 : memref<80xi32, #tpu.memory_space<hbm>>) target(%arg13 : memref<80xi32, #tpu.memory_space<vmem>>) target_semaphore(%arg26 : memref<!tpu.dma_semaphore, #tpu.memory_space<semaphore_mem>>)
    %add3A_26 = arith.constant 160 : i32
    %add3A_27 = arith.addi %mul3A_6, %add3A_26 : i32
    %dma_start3A_28 = tpu.memref_slice %arg4[%add3A_27] : memref<160000xi32, #tpu.memory_space<hbm>> -> memref<80xi32, #tpu.memory_space<hbm>>
    %dma_start3A_29 = tpu.memref_slice %arg4[%add3A_27] : memref<160000xi32, #tpu.memory_space<hbm>> -> memref<80xi32, #tpu.memory_space<hbm>>
    tpu.enqueue_dma source(%dma_start3A_29 : memref<80xi32, #tpu.memory_space<hbm>>) target(%arg17 : memref<80xi32, #tpu.memory_space<vmem>>) target_semaphore(%arg26 : memref<!tpu.dma_semaphore, #tpu.memory_space<semaphore_mem>>)
    %add3A_30 = arith.constant 240 : i32
    %add3A_31 = arith.addi %add3A, %add3A_30 : i32
    %dma_start3A_32 = tpu.memref_slice %arg3[%add3A_31] : memref<320000xi32, #tpu.memory_space<hbm>> -> memref<80xi32, #tpu.memory_space<hbm>>
    %dma_start3A_33 = tpu.memref_slice %arg3[%add3A_31] : memref<320000xi32, #tpu.memory_space<hbm>> -> memref<80xi32, #tpu.memory_space<hbm>>
    tpu.enqueue_dma source(%dma_start3A_33 : memref<80xi32, #tpu.memory_space<hbm>>) target(%arg14 : memref<80xi32, #tpu.memory_space<vmem>>) target_semaphore(%arg27 : memref<!tpu.dma_semaphore, #tpu.memory_space<semaphore_mem>>)
    %add3A_34 = arith.constant 240 : i32
    %add3A_35 = arith.addi %mul3A_6, %add3A_34 : i32
    %dma_start3A_36 = tpu.memref_slice %arg4[%add3A_35] : memref<160000xi32, #tpu.memory_space<hbm>> -> memref<80xi32, #tpu.memory_space<hbm>>
    %dma_start3A_37 = tpu.memref_slice %arg4[%add3A_35] : memref<160000xi32, #tpu.memory_space<hbm>> -> memref<80xi32, #tpu.memory_space<hbm>>
    tpu.enqueue_dma source(%dma_start3A_37 : memref<80xi32, #tpu.memory_space<hbm>>) target(%arg18 : memref<80xi32, #tpu.memory_space<vmem>>) target_semaphore(%arg27 : memref<!tpu.dma_semaphore, #tpu.memory_space<semaphore_mem>>)
    %add3A_38 = arith.constant 0 : i32
    %add3A_39 = arith.addi %add3A, %add3A_38 : i32
    %dma_wait3A = tpu.memref_slice %arg3[%add3A_39] : memref<320000xi32, #tpu.memory_space<hbm>> -> memref<80xi32, #tpu.memory_space<hbm>>
    %dma_wait3A_40 = tpu.memref_slice %arg3[%add3A_39] : memref<320000xi32, #tpu.memory_space<hbm>> -> memref<80xi32, #tpu.memory_space<hbm>>
    tpu.wait_dma2 semaphore(%arg24 : memref<!tpu.dma_semaphore, #tpu.memory_space<semaphore_mem>>) src(%dma_wait3A_40 : memref<80xi32, #tpu.memory_space<hbm>>) dst(%arg11 : memref<80xi32, #tpu.memory_space<vmem>>)
    %add3A_41 = arith.constant 0 : i32
    %add3A_42 = arith.addi %mul3A_6, %add3A_41 : i32
    %dma_wait3A_43 = tpu.memref_slice %arg4[%add3A_42] : memref<160000xi32, #tpu.memory_space<hbm>> -> memref<80xi32, #tpu.memory_space<hbm>>
    %dma_wait3A_44 = tpu.memref_slice %arg4[%add3A_42] : memref<160000xi32, #tpu.memory_space<hbm>> -> memref<80xi32, #tpu.memory_space<hbm>>
    tpu.wait_dma2 semaphore(%arg24 : memref<!tpu.dma_semaphore, #tpu.memory_space<semaphore_mem>>) src(%dma_wait3A_44 : memref<80xi32, #tpu.memory_space<hbm>>) dst(%arg15 : memref<80xi32, #tpu.memory_space<vmem>>)
    %dma_start3A_45 = arith.constant 0 : i32
    %dma_start3A_46 = arith.constant 0 : i32
    %dma_start3A_47 = tpu.memref_slice %arg2[%dma_start3A_45, %dma_start3A_46] : memref<320000x128xf32, #tpu.memory_space<hbm>> -> memref<320000x128xf32, #tpu.memory_space<hbm>>
    tpu.enqueue_indirect_dma source(%dma_start3A_47 : memref<320000x128xf32, #tpu.memory_space<hbm>>) target(%arg7 : memref<80x128xf32, #tpu.memory_space<vmem>>) offsets(%arg11 : memref<80xi32, #tpu.memory_space<vmem>>) semaphore(%arg20 : memref<!tpu.dma_semaphore, #tpu.memory_space<semaphore_mem>>)
    %add3A_48 = arith.constant 80 : i32
    %add3A_49 = arith.addi %add3A, %add3A_48 : i32
    %dma_wait3A_50 = tpu.memref_slice %arg3[%add3A_49] : memref<320000xi32, #tpu.memory_space<hbm>> -> memref<80xi32, #tpu.memory_space<hbm>>
    %dma_wait3A_51 = tpu.memref_slice %arg3[%add3A_49] : memref<320000xi32, #tpu.memory_space<hbm>> -> memref<80xi32, #tpu.memory_space<hbm>>
    tpu.wait_dma2 semaphore(%arg25 : memref<!tpu.dma_semaphore, #tpu.memory_space<semaphore_mem>>) src(%dma_wait3A_51 : memref<80xi32, #tpu.memory_space<hbm>>) dst(%arg12 : memref<80xi32, #tpu.memory_space<vmem>>)
    %add3A_52 = arith.constant 80 : i32
    %add3A_53 = arith.addi %mul3A_6, %add3A_52 : i32
    %dma_wait3A_54 = tpu.memref_slice %arg4[%add3A_53] : memref<160000xi32, #tpu.memory_space<hbm>> -> memref<80xi32, #tpu.memory_space<hbm>>
    %dma_wait3A_55 = tpu.memref_slice %arg4[%add3A_53] : memref<160000xi32, #tpu.memory_space<hbm>> -> memref<80xi32, #tpu.memory_space<hbm>>
    tpu.wait_dma2 semaphore(%arg25 : memref<!tpu.dma_semaphore, #tpu.memory_space<semaphore_mem>>) src(%dma_wait3A_55 : memref<80xi32, #tpu.memory_space<hbm>>) dst(%arg16 : memref<80xi32, #tpu.memory_space<vmem>>)
    %dma_start3A_56 = arith.constant 0 : i32
    %dma_start3A_57 = arith.constant 0 : i32
    %dma_start3A_58 = tpu.memref_slice %arg2[%dma_start3A_56, %dma_start3A_57] : memref<320000x128xf32, #tpu.memory_space<hbm>> -> memref<320000x128xf32, #tpu.memory_space<hbm>>
    tpu.enqueue_indirect_dma source(%dma_start3A_58 : memref<320000x128xf32, #tpu.memory_space<hbm>>) target(%arg8 : memref<80x128xf32, #tpu.memory_space<vmem>>) offsets(%arg12 : memref<80xi32, #tpu.memory_space<vmem>>) semaphore(%arg21 : memref<!tpu.dma_semaphore, #tpu.memory_space<semaphore_mem>>)
    %scan3A = arith.constant 0 : i32
    %scan3A_59 = arith.constant 31 : i32
    %scan3A_60 = arith.addi %scan3A, %scan3A_59 : i32
    %scan3A_61 = arith.constant 1 : i32
    scf.for %scan3A_70 = %scan3A to %scan3A_60 step %scan3A_61  : i32 {
      %mul3A_71 = arith.constant 4 : i32
      %mul3A_72 = arith.muli %scan3A_70, %mul3A_71 : i32
      %add3A_73 = arith.constant 0 : i32
      %add3A_74 = arith.addi %add3A_73, %mul3A_72 : i32
      %add3A_75 = arith.constant 0 : i32
      %add3A_76 = arith.addi %add3A_74, %add3A_75 : i32
      %dma_wait3A_77 = arith.constant 0 : i32
      %dma_wait3A_78 = arith.constant 0 : i32
      %dma_wait3A_79 = tpu.memref_slice %arg2[%dma_wait3A_77, %dma_wait3A_78] : memref<320000x128xf32, #tpu.memory_space<hbm>> -> memref<320000x128xf32, #tpu.memory_space<hbm>>
      tpu.wait_indirect_dma semaphore(%arg20 : memref<!tpu.dma_semaphore, #tpu.memory_space<semaphore_mem>>) src(%dma_wait3A_79 : memref<320000x128xf32, #tpu.memory_space<hbm>>) dst(%arg7 : memref<80x128xf32, #tpu.memory_space<vmem>>)
      %add3A_80 = arith.constant 0 : i32
      %add3A_81 = arith.addi %add3A_74, %add3A_80 : i32
      %add3A_82 = arith.constant 2 : i32
      %add3A_83 = arith.addi %add3A_81, %add3A_82 : i32
      %lt3A = arith.constant 125 : i32
      %lt3A_84 = arith.cmpi slt, %add3A_83, %lt3A : i32
      %convert_element_type3A = arith.extui %lt3A_84 : i1 to i32
      %cond3A = arith.constant 0 : i32
      %cond3A_85 = arith.cmpi ne, %convert_element_type3A, %cond3A : i32
      scf.if %cond3A_85 {
        %add3A_164 = arith.constant 0 : i32
        %add3A_165 = arith.addi %add3A_74, %add3A_164 : i32
        %add3A_166 = arith.constant 2 : i32
        %add3A_167 = arith.addi %add3A_165, %add3A_166 : i32
        %mul3A_168 = arith.constant 80 : i32
        %mul3A_169 = arith.muli %add3A_167, %mul3A_168 : i32
        %add3A_170 = arith.addi %add3A, %mul3A_169 : i32
        %dma_wait3A_171 = tpu.memref_slice %arg3[%add3A_170] : memref<320000xi32, #tpu.memory_space<hbm>> -> memref<80xi32, #tpu.memory_space<hbm>>
        %dma_wait3A_172 = tpu.memref_slice %arg3[%add3A_170] : memref<320000xi32, #tpu.memory_space<hbm>> -> memref<80xi32, #tpu.memory_space<hbm>>
        tpu.wait_dma2 semaphore(%arg26 : memref<!tpu.dma_semaphore, #tpu.memory_space<semaphore_mem>>) src(%dma_wait3A_172 : memref<80xi32, #tpu.memory_space<hbm>>) dst(%arg13 : memref<80xi32, #tpu.memory_space<vmem>>)
        %mul3A_173 = arith.constant 80 : i32
        %mul3A_174 = arith.muli %add3A_167, %mul3A_173 : i32
        %add3A_175 = arith.addi %mul3A_6, %mul3A_174 : i32
        %dma_wait3A_176 = tpu.memref_slice %arg4[%add3A_175] : memref<160000xi32, #tpu.memory_space<hbm>> -> memref<80xi32, #tpu.memory_space<hbm>>
        %dma_wait3A_177 = tpu.memref_slice %arg4[%add3A_175] : memref<160000xi32, #tpu.memory_space<hbm>> -> memref<80xi32, #tpu.memory_space<hbm>>
        tpu.wait_dma2 semaphore(%arg26 : memref<!tpu.dma_semaphore, #tpu.memory_space<semaphore_mem>>) src(%dma_wait3A_177 : memref<80xi32, #tpu.memory_space<hbm>>) dst(%arg17 : memref<80xi32, #tpu.memory_space<vmem>>)
        %add3A_178 = arith.constant 0 : i32
        %add3A_179 = arith.addi %add3A_74, %add3A_178 : i32
        %add3A_180 = arith.constant 2 : i32
        %add3A_181 = arith.addi %add3A_179, %add3A_180 : i32
        %dma_start3A_182 = arith.constant 0 : i32
        %dma_start3A_183 = arith.constant 0 : i32
        %dma_start3A_184 = tpu.memref_slice %arg2[%dma_start3A_182, %dma_start3A_183] : memref<320000x128xf32, #tpu.memory_space<hbm>> -> memref<320000x128xf32, #tpu.memory_space<hbm>>
        tpu.enqueue_indirect_dma source(%dma_start3A_184 : memref<320000x128xf32, #tpu.memory_space<hbm>>) target(%arg9 : memref<80x128xf32, #tpu.memory_space<vmem>>) offsets(%arg13 : memref<80xi32, #tpu.memory_space<vmem>>) semaphore(%arg22 : memref<!tpu.dma_semaphore, #tpu.memory_space<semaphore_mem>>)
      } else {
      }
      "tpu.region"() ({
        %run_scoped3A = tpu.sem_alloc : memref<!tpu.dma_semaphore, #tpu.memory_space<semaphore_mem>>
        %dma_start3A_164 = arith.constant 0 : i32
        %dma_start3A_165 = arith.constant 0 : i32
        %dma_start3A_166 = tpu.memref_slice %arg19[%dma_start3A_164, %dma_start3A_165] : memref<10240x128xf32, #tpu.memory_space<vmem_shared>> -> memref<10240x128xf32, #tpu.memory_space<vmem_shared>>
        tpu.enqueue_indirect_dma source(%arg7 : memref<80x128xf32, #tpu.memory_space<vmem>>) target(%dma_start3A_166 : memref<10240x128xf32, #tpu.memory_space<vmem_shared>>) offsets(%arg15 : memref<80xi32, #tpu.memory_space<vmem>>) semaphore(%run_scoped3A : memref<!tpu.dma_semaphore, #tpu.memory_space<semaphore_mem>>) {add = true}
        %dma_wait3A_167 = arith.constant 0 : i32
        %dma_wait3A_168 = arith.constant 0 : i32
        %dma_wait3A_169 = tpu.memref_slice %arg19[%dma_wait3A_167, %dma_wait3A_168] : memref<10240x128xf32, #tpu.memory_space<vmem_shared>> -> memref<10240x128xf32, #tpu.memory_space<vmem_shared>>
        tpu.wait_indirect_dma semaphore(%run_scoped3A : memref<!tpu.dma_semaphore, #tpu.memory_space<semaphore_mem>>) src(%arg7 : memref<80x128xf32, #tpu.memory_space<vmem>>) dst(%dma_wait3A_169 : memref<10240x128xf32, #tpu.memory_space<vmem_shared>>)
        tpu.yield
      }) : () -> ()
      %add3A_86 = arith.constant 0 : i32
      %add3A_87 = arith.addi %add3A_74, %add3A_86 : i32
      %add3A_88 = arith.constant 4 : i32
      %add3A_89 = arith.addi %add3A_87, %add3A_88 : i32
      %lt3A_90 = arith.constant 125 : i32
      %lt3A_91 = arith.cmpi slt, %add3A_89, %lt3A_90 : i32
      %convert_element_type3A_92 = arith.extui %lt3A_91 : i1 to i32
      %cond3A_93 = arith.constant 0 : i32
      %cond3A_94 = arith.cmpi ne, %convert_element_type3A_92, %cond3A_93 : i32
      scf.if %cond3A_94 {
        %add3A_164 = arith.constant 0 : i32
        %add3A_165 = arith.addi %add3A_74, %add3A_164 : i32
        %add3A_166 = arith.constant 4 : i32
        %add3A_167 = arith.addi %add3A_165, %add3A_166 : i32
        %mul3A_168 = arith.constant 80 : i32
        %mul3A_169 = arith.muli %add3A_167, %mul3A_168 : i32
        %add3A_170 = arith.addi %add3A, %mul3A_169 : i32
        %dma_start3A_171 = tpu.memref_slice %arg3[%add3A_170] : memref<320000xi32, #tpu.memory_space<hbm>> -> memref<80xi32, #tpu.memory_space<hbm>>
        %dma_start3A_172 = tpu.memref_slice %arg3[%add3A_170] : memref<320000xi32, #tpu.memory_space<hbm>> -> memref<80xi32, #tpu.memory_space<hbm>>
        tpu.enqueue_dma source(%dma_start3A_172 : memref<80xi32, #tpu.memory_space<hbm>>) target(%arg11 : memref<80xi32, #tpu.memory_space<vmem>>) target_semaphore(%arg24 : memref<!tpu.dma_semaphore, #tpu.memory_space<semaphore_mem>>)
        %mul3A_173 = arith.constant 80 : i32
        %mul3A_174 = arith.muli %add3A_167, %mul3A_173 : i32
        %add3A_175 = arith.addi %mul3A_6, %mul3A_174 : i32
        %dma_start3A_176 = tpu.memref_slice %arg4[%add3A_175] : memref<160000xi32, #tpu.memory_space<hbm>> -> memref<80xi32, #tpu.memory_space<hbm>>
        %dma_start3A_177 = tpu.memref_slice %arg4[%add3A_175] : memref<160000xi32, #tpu.memory_space<hbm>> -> memref<80xi32, #tpu.memory_space<hbm>>
        tpu.enqueue_dma source(%dma_start3A_177 : memref<80xi32, #tpu.memory_space<hbm>>) target(%arg15 : memref<80xi32, #tpu.memory_space<vmem>>) target_semaphore(%arg24 : memref<!tpu.dma_semaphore, #tpu.memory_space<semaphore_mem>>)
      } else {
      }
      %add3A_95 = arith.constant 1 : i32
      %add3A_96 = arith.addi %add3A_74, %add3A_95 : i32
      %dma_wait3A_97 = arith.constant 0 : i32
      %dma_wait3A_98 = arith.constant 0 : i32
      %dma_wait3A_99 = tpu.memref_slice %arg2[%dma_wait3A_97, %dma_wait3A_98] : memref<320000x128xf32, #tpu.memory_space<hbm>> -> memref<320000x128xf32, #tpu.memory_space<hbm>>
      tpu.wait_indirect_dma semaphore(%arg21 : memref<!tpu.dma_semaphore, #tpu.memory_space<semaphore_mem>>) src(%dma_wait3A_99 : memref<320000x128xf32, #tpu.memory_space<hbm>>) dst(%arg8 : memref<80x128xf32, #tpu.memory_space<vmem>>)
      %add3A_100 = arith.constant 1 : i32
      %add3A_101 = arith.addi %add3A_74, %add3A_100 : i32
      %add3A_102 = arith.constant 2 : i32
      %add3A_103 = arith.addi %add3A_101, %add3A_102 : i32
      %lt3A_104 = arith.constant 125 : i32
      %lt3A_105 = arith.cmpi slt, %add3A_103, %lt3A_104 : i32
      %convert_element_type3A_106 = arith.extui %lt3A_105 : i1 to i32
      %cond3A_107 = arith.constant 0 : i32
      %cond3A_108 = arith.cmpi ne, %convert_element_type3A_106, %cond3A_107 : i32
      scf.if %cond3A_108 {
        %add3A_164 = arith.constant 1 : i32
        %add3A_165 = arith.addi %add3A_74, %add3A_164 : i32
        %add3A_166 = arith.constant 2 : i32
        %add3A_167 = arith.addi %add3A_165, %add3A_166 : i32
        %mul3A_168 = arith.constant 80 : i32
        %mul3A_169 = arith.muli %add3A_167, %mul3A_168 : i32
        %add3A_170 = arith.addi %add3A, %mul3A_169 : i32
        %dma_wait3A_171 = tpu.memref_slice %arg3[%add3A_170] : memref<320000xi32, #tpu.memory_space<hbm>> -> memref<80xi32, #tpu.memory_space<hbm>>
        %dma_wait3A_172 = tpu.memref_slice %arg3[%add3A_170] : memref<320000xi32, #tpu.memory_space<hbm>> -> memref<80xi32, #tpu.memory_space<hbm>>
        tpu.wait_dma2 semaphore(%arg27 : memref<!tpu.dma_semaphore, #tpu.memory_space<semaphore_mem>>) src(%dma_wait3A_172 : memref<80xi32, #tpu.memory_space<hbm>>) dst(%arg14 : memref<80xi32, #tpu.memory_space<vmem>>)
        %mul3A_173 = arith.constant 80 : i32
        %mul3A_174 = arith.muli %add3A_167, %mul3A_173 : i32
        %add3A_175 = arith.addi %mul3A_6, %mul3A_174 : i32
        %dma_wait3A_176 = tpu.memref_slice %arg4[%add3A_175] : memref<160000xi32, #tpu.memory_space<hbm>> -> memref<80xi32, #tpu.memory_space<hbm>>
        %dma_wait3A_177 = tpu.memref_slice %arg4[%add3A_175] : memref<160000xi32, #tpu.memory_space<hbm>> -> memref<80xi32, #tpu.memory_space<hbm>>
        tpu.wait_dma2 semaphore(%arg27 : memref<!tpu.dma_semaphore, #tpu.memory_space<semaphore_mem>>) src(%dma_wait3A_177 : memref<80xi32, #tpu.memory_space<hbm>>) dst(%arg18 : memref<80xi32, #tpu.memory_space<vmem>>)
        %add3A_178 = arith.constant 1 : i32
        %add3A_179 = arith.addi %add3A_74, %add3A_178 : i32
        %add3A_180 = arith.constant 2 : i32
        %add3A_181 = arith.addi %add3A_179, %add3A_180 : i32
        %dma_start3A_182 = arith.constant 0 : i32
        %dma_start3A_183 = arith.constant 0 : i32
        %dma_start3A_184 = tpu.memref_slice %arg2[%dma_start3A_182, %dma_start3A_183] : memref<320000x128xf32, #tpu.memory_space<hbm>> -> memref<320000x128xf32, #tpu.memory_space<hbm>>
        tpu.enqueue_indirect_dma source(%dma_start3A_184 : memref<320000x128xf32, #tpu.memory_space<hbm>>) target(%arg10 : memref<80x128xf32, #tpu.memory_space<vmem>>) offsets(%arg14 : memref<80xi32, #tpu.memory_space<vmem>>) semaphore(%arg23 : memref<!tpu.dma_semaphore, #tpu.memory_space<semaphore_mem>>)
      } else {
      }
      "tpu.region"() ({
        %run_scoped3A = tpu.sem_alloc : memref<!tpu.dma_semaphore, #tpu.memory_space<semaphore_mem>>
        %dma_start3A_164 = arith.constant 0 : i32
        %dma_start3A_165 = arith.constant 0 : i32
        %dma_start3A_166 = tpu.memref_slice %arg19[%dma_start3A_164, %dma_start3A_165] : memref<10240x128xf32, #tpu.memory_space<vmem_shared>> -> memref<10240x128xf32, #tpu.memory_space<vmem_shared>>
        tpu.enqueue_indirect_dma source(%arg8 : memref<80x128xf32, #tpu.memory_space<vmem>>) target(%dma_start3A_166 : memref<10240x128xf32, #tpu.memory_space<vmem_shared>>) offsets(%arg16 : memref<80xi32, #tpu.memory_space<vmem>>) semaphore(%run_scoped3A : memref<!tpu.dma_semaphore, #tpu.memory_space<semaphore_mem>>) {add = true}
        %dma_wait3A_167 = arith.constant 0 : i32
        %dma_wait3A_168 = arith.constant 0 : i32
        %dma_wait3A_169 = tpu.memref_slice %arg19[%dma_wait3A_167, %dma_wait3A_168] : memref<10240x128xf32, #tpu.memory_space<vmem_shared>> -> memref<10240x128xf32, #tpu.memory_space<vmem_shared>>
        tpu.wait_indirect_dma semaphore(%run_scoped3A : memref<!tpu.dma_semaphore, #tpu.memory_space<semaphore_mem>>) src(%arg8 : memref<80x128xf32, #tpu.memory_space<vmem>>) dst(%dma_wait3A_169 : memref<10240x128xf32, #tpu.memory_space<vmem_shared>>)
        tpu.yield
      }) : () -> ()
      %add3A_109 = arith.constant 1 : i32
      %add3A_110 = arith.addi %add3A_74, %add3A_109 : i32
      %add3A_111 = arith.constant 4 : i32
      %add3A_112 = arith.addi %add3A_110, %add3A_111 : i32
      %lt3A_113 = arith.constant 125 : i32
      %lt3A_114 = arith.cmpi slt, %add3A_112, %lt3A_113 : i32
      %convert_element_type3A_115 = arith.extui %lt3A_114 : i1 to i32
      %cond3A_116 = arith.constant 0 : i32
      %cond3A_117 = arith.cmpi ne, %convert_element_type3A_115, %cond3A_116 : i32
      scf.if %cond3A_117 {
        %add3A_164 = arith.constant 1 : i32
        %add3A_165 = arith.addi %add3A_74, %add3A_164 : i32
        %add3A_166 = arith.constant 4 : i32
        %add3A_167 = arith.addi %add3A_165, %add3A_166 : i32
        %mul3A_168 = arith.constant 80 : i32
        %mul3A_169 = arith.muli %add3A_167, %mul3A_168 : i32
        %add3A_170 = arith.addi %add3A, %mul3A_169 : i32
        %dma_start3A_171 = tpu.memref_slice %arg3[%add3A_170] : memref<320000xi32, #tpu.memory_space<hbm>> -> memref<80xi32, #tpu.memory_space<hbm>>
        %dma_start3A_172 = tpu.memref_slice %arg3[%add3A_170] : memref<320000xi32, #tpu.memory_space<hbm>> -> memref<80xi32, #tpu.memory_space<hbm>>
        tpu.enqueue_dma source(%dma_start3A_172 : memref<80xi32, #tpu.memory_space<hbm>>) target(%arg12 : memref<80xi32, #tpu.memory_space<vmem>>) target_semaphore(%arg25 : memref<!tpu.dma_semaphore, #tpu.memory_space<semaphore_mem>>)
        %mul3A_173 = arith.constant 80 : i32
        %mul3A_174 = arith.muli %add3A_167, %mul3A_173 : i32
        %add3A_175 = arith.addi %mul3A_6, %mul3A_174 : i32
        %dma_start3A_176 = tpu.memref_slice %arg4[%add3A_175] : memref<160000xi32, #tpu.memory_space<hbm>> -> memref<80xi32, #tpu.memory_space<hbm>>
        %dma_start3A_177 = tpu.memref_slice %arg4[%add3A_175] : memref<160000xi32, #tpu.memory_space<hbm>> -> memref<80xi32, #tpu.memory_space<hbm>>
        tpu.enqueue_dma source(%dma_start3A_177 : memref<80xi32, #tpu.memory_space<hbm>>) target(%arg16 : memref<80xi32, #tpu.memory_space<vmem>>) target_semaphore(%arg25 : memref<!tpu.dma_semaphore, #tpu.memory_space<semaphore_mem>>)
      } else {
      }
      %add3A_118 = arith.constant 2 : i32
      %add3A_119 = arith.addi %add3A_74, %add3A_118 : i32
      %dma_wait3A_120 = arith.constant 0 : i32
      %dma_wait3A_121 = arith.constant 0 : i32
      %dma_wait3A_122 = tpu.memref_slice %arg2[%dma_wait3A_120, %dma_wait3A_121] : memref<320000x128xf32, #tpu.memory_space<hbm>> -> memref<320000x128xf32, #tpu.memory_space<hbm>>
      tpu.wait_indirect_dma semaphore(%arg22 : memref<!tpu.dma_semaphore, #tpu.memory_space<semaphore_mem>>) src(%dma_wait3A_122 : memref<320000x128xf32, #tpu.memory_space<hbm>>) dst(%arg9 : memref<80x128xf32, #tpu.memory_space<vmem>>)
      %add3A_123 = arith.constant 2 : i32
      %add3A_124 = arith.addi %add3A_74, %add3A_123 : i32
      %add3A_125 = arith.constant 2 : i32
      %add3A_126 = arith.addi %add3A_124, %add3A_125 : i32
      %lt3A_127 = arith.constant 125 : i32
      %lt3A_128 = arith.cmpi slt, %add3A_126, %lt3A_127 : i32
      %convert_element_type3A_129 = arith.extui %lt3A_128 : i1 to i32
      %cond3A_130 = arith.constant 0 : i32
      %cond3A_131 = arith.cmpi ne, %convert_element_type3A_129, %cond3A_130 : i32
      scf.if %cond3A_131 {
        %add3A_164 = arith.constant 2 : i32
        %add3A_165 = arith.addi %add3A_74, %add3A_164 : i32
        %add3A_166 = arith.constant 2 : i32
        %add3A_167 = arith.addi %add3A_165, %add3A_166 : i32
        %mul3A_168 = arith.constant 80 : i32
        %mul3A_169 = arith.muli %add3A_167, %mul3A_168 : i32
        %add3A_170 = arith.addi %add3A, %mul3A_169 : i32
        %dma_wait3A_171 = tpu.memref_slice %arg3[%add3A_170] : memref<320000xi32, #tpu.memory_space<hbm>> -> memref<80xi32, #tpu.memory_space<hbm>>
        %dma_wait3A_172 = tpu.memref_slice %arg3[%add3A_170] : memref<320000xi32, #tpu.memory_space<hbm>> -> memref<80xi32, #tpu.memory_space<hbm>>
        tpu.wait_dma2 semaphore(%arg24 : memref<!tpu.dma_semaphore, #tpu.memory_space<semaphore_mem>>) src(%dma_wait3A_172 : memref<80xi32, #tpu.memory_space<hbm>>) dst(%arg11 : memref<80xi32, #tpu.memory_space<vmem>>)
        %mul3A_173 = arith.constant 80 : i32
        %mul3A_174 = arith.muli %add3A_167, %mul3A_173 : i32
        %add3A_175 = arith.addi %mul3A_6, %mul3A_174 : i32
        %dma_wait3A_176 = tpu.memref_slice %arg4[%add3A_175] : memref<160000xi32, #tpu.memory_space<hbm>> -> memref<80xi32, #tpu.memory_space<hbm>>
        %dma_wait3A_177 = tpu.memref_slice %arg4[%add3A_175] : memref<160000xi32, #tpu.memory_space<hbm>> -> memref<80xi32, #tpu.memory_space<hbm>>
        tpu.wait_dma2 semaphore(%arg24 : memref<!tpu.dma_semaphore, #tpu.memory_space<semaphore_mem>>) src(%dma_wait3A_177 : memref<80xi32, #tpu.memory_space<hbm>>) dst(%arg15 : memref<80xi32, #tpu.memory_space<vmem>>)
        %add3A_178 = arith.constant 2 : i32
        %add3A_179 = arith.addi %add3A_74, %add3A_178 : i32
        %add3A_180 = arith.constant 2 : i32
        %add3A_181 = arith.addi %add3A_179, %add3A_180 : i32
        %dma_start3A_182 = arith.constant 0 : i32
        %dma_start3A_183 = arith.constant 0 : i32
        %dma_start3A_184 = tpu.memref_slice %arg2[%dma_start3A_182, %dma_start3A_183] : memref<320000x128xf32, #tpu.memory_space<hbm>> -> memref<320000x128xf32, #tpu.memory_space<hbm>>
        tpu.enqueue_indirect_dma source(%dma_start3A_184 : memref<320000x128xf32, #tpu.memory_space<hbm>>) target(%arg7 : memref<80x128xf32, #tpu.memory_space<vmem>>) offsets(%arg11 : memref<80xi32, #tpu.memory_space<vmem>>) semaphore(%arg20 : memref<!tpu.dma_semaphore, #tpu.memory_space<semaphore_mem>>)
      } else {
      }
      "tpu.region"() ({
        %run_scoped3A = tpu.sem_alloc : memref<!tpu.dma_semaphore, #tpu.memory_space<semaphore_mem>>
        %dma_start3A_164 = arith.constant 0 : i32
        %dma_start3A_165 = arith.constant 0 : i32
        %dma_start3A_166 = tpu.memref_slice %arg19[%dma_start3A_164, %dma_start3A_165] : memref<10240x128xf32, #tpu.memory_space<vmem_shared>> -> memref<10240x128xf32, #tpu.memory_space<vmem_shared>>
        tpu.enqueue_indirect_dma source(%arg9 : memref<80x128xf32, #tpu.memory_space<vmem>>) target(%dma_start3A_166 : memref<10240x128xf32, #tpu.memory_space<vmem_shared>>) offsets(%arg17 : memref<80xi32, #tpu.memory_space<vmem>>) semaphore(%run_scoped3A : memref<!tpu.dma_semaphore, #tpu.memory_space<semaphore_mem>>) {add = true}
        %dma_wait3A_167 = arith.constant 0 : i32
        %dma_wait3A_168 = arith.constant 0 : i32
        %dma_wait3A_169 = tpu.memref_slice %arg19[%dma_wait3A_167, %dma_wait3A_168] : memref<10240x128xf32, #tpu.memory_space<vmem_shared>> -> memref<10240x128xf32, #tpu.memory_space<vmem_shared>>
        tpu.wait_indirect_dma semaphore(%run_scoped3A : memref<!tpu.dma_semaphore, #tpu.memory_space<semaphore_mem>>) src(%arg9 : memref<80x128xf32, #tpu.memory_space<vmem>>) dst(%dma_wait3A_169 : memref<10240x128xf32, #tpu.memory_space<vmem_shared>>)
        tpu.yield
      }) : () -> ()
      %add3A_132 = arith.constant 2 : i32
      %add3A_133 = arith.addi %add3A_74, %add3A_132 : i32
      %add3A_134 = arith.constant 4 : i32
      %add3A_135 = arith.addi %add3A_133, %add3A_134 : i32
      %lt3A_136 = arith.constant 125 : i32
      %lt3A_137 = arith.cmpi slt, %add3A_135, %lt3A_136 : i32
      %convert_element_type3A_138 = arith.extui %lt3A_137 : i1 to i32
      %cond3A_139 = arith.constant 0 : i32
      %cond3A_140 = arith.cmpi ne, %convert_element_type3A_138, %cond3A_139 : i32
      scf.if %cond3A_140 {
        %add3A_164 = arith.constant 2 : i32
        %add3A_165 = arith.addi %add3A_74, %add3A_164 : i32
        %add3A_166 = arith.constant 4 : i32
        %add3A_167 = arith.addi %add3A_165, %add3A_166 : i32
        %mul3A_168 = arith.constant 80 : i32
        %mul3A_169 = arith.muli %add3A_167, %mul3A_168 : i32
        %add3A_170 = arith.addi %add3A, %mul3A_169 : i32
        %dma_start3A_171 = tpu.memref_slice %arg3[%add3A_170] : memref<320000xi32, #tpu.memory_space<hbm>> -> memref<80xi32, #tpu.memory_space<hbm>>
        %dma_start3A_172 = tpu.memref_slice %arg3[%add3A_170] : memref<320000xi32, #tpu.memory_space<hbm>> -> memref<80xi32, #tpu.memory_space<hbm>>
        tpu.enqueue_dma source(%dma_start3A_172 : memref<80xi32, #tpu.memory_space<hbm>>) target(%arg13 : memref<80xi32, #tpu.memory_space<vmem>>) target_semaphore(%arg26 : memref<!tpu.dma_semaphore, #tpu.memory_space<semaphore_mem>>)
        %mul3A_173 = arith.constant 80 : i32
        %mul3A_174 = arith.muli %add3A_167, %mul3A_173 : i32
        %add3A_175 = arith.addi %mul3A_6, %mul3A_174 : i32
        %dma_start3A_176 = tpu.memref_slice %arg4[%add3A_175] : memref<160000xi32, #tpu.memory_space<hbm>> -> memref<80xi32, #tpu.memory_space<hbm>>
        %dma_start3A_177 = tpu.memref_slice %arg4[%add3A_175] : memref<160000xi32, #tpu.memory_space<hbm>> -> memref<80xi32, #tpu.memory_space<hbm>>
        tpu.enqueue_dma source(%dma_start3A_177 : memref<80xi32, #tpu.memory_space<hbm>>) target(%arg17 : memref<80xi32, #tpu.memory_space<vmem>>) target_semaphore(%arg26 : memref<!tpu.dma_semaphore, #tpu.memory_space<semaphore_mem>>)
      } else {
      }
      %add3A_141 = arith.constant 3 : i32
      %add3A_142 = arith.addi %add3A_74, %add3A_141 : i32
      %dma_wait3A_143 = arith.constant 0 : i32
      %dma_wait3A_144 = arith.constant 0 : i32
      %dma_wait3A_145 = tpu.memref_slice %arg2[%dma_wait3A_143, %dma_wait3A_144] : memref<320000x128xf32, #tpu.memory_space<hbm>> -> memref<320000x128xf32, #tpu.memory_space<hbm>>
      tpu.wait_indirect_dma semaphore(%arg23 : memref<!tpu.dma_semaphore, #tpu.memory_space<semaphore_mem>>) src(%dma_wait3A_145 : memref<320000x128xf32, #tpu.memory_space<hbm>>) dst(%arg10 : memref<80x128xf32, #tpu.memory_space<vmem>>)
      %add3A_146 = arith.constant 3 : i32
      %add3A_147 = arith.addi %add3A_74, %add3A_146 : i32
      %add3A_148 = arith.constant 2 : i32
      %add3A_149 = arith.addi %add3A_147, %add3A_148 : i32
      %lt3A_150 = arith.constant 125 : i32
      %lt3A_151 = arith.cmpi slt, %add3A_149, %lt3A_150 : i32
      %convert_element_type3A_152 = arith.extui %lt3A_151 : i1 to i32
      %cond3A_153 = arith.constant 0 : i32
      %cond3A_154 = arith.cmpi ne, %convert_element_type3A_152, %cond3A_153 : i32
      scf.if %cond3A_154 {
        %add3A_164 = arith.constant 3 : i32
        %add3A_165 = arith.addi %add3A_74, %add3A_164 : i32
        %add3A_166 = arith.constant 2 : i32
        %add3A_167 = arith.addi %add3A_165, %add3A_166 : i32
        %mul3A_168 = arith.constant 80 : i32
        %mul3A_169 = arith.muli %add3A_167, %mul3A_168 : i32
        %add3A_170 = arith.addi %add3A, %mul3A_169 : i32
        %dma_wait3A_171 = tpu.memref_slice %arg3[%add3A_170] : memref<320000xi32, #tpu.memory_space<hbm>> -> memref<80xi32, #tpu.memory_space<hbm>>
        %dma_wait3A_172 = tpu.memref_slice %arg3[%add3A_170] : memref<320000xi32, #tpu.memory_space<hbm>> -> memref<80xi32, #tpu.memory_space<hbm>>
        tpu.wait_dma2 semaphore(%arg25 : memref<!tpu.dma_semaphore, #tpu.memory_space<semaphore_mem>>) src(%dma_wait3A_172 : memref<80xi32, #tpu.memory_space<hbm>>) dst(%arg12 : memref<80xi32, #tpu.memory_space<vmem>>)
        %mul3A_173 = arith.constant 80 : i32
        %mul3A_174 = arith.muli %add3A_167, %mul3A_173 : i32
        %add3A_175 = arith.addi %mul3A_6, %mul3A_174 : i32
        %dma_wait3A_176 = tpu.memref_slice %arg4[%add3A_175] : memref<160000xi32, #tpu.memory_space<hbm>> -> memref<80xi32, #tpu.memory_space<hbm>>
        %dma_wait3A_177 = tpu.memref_slice %arg4[%add3A_175] : memref<160000xi32, #tpu.memory_space<hbm>> -> memref<80xi32, #tpu.memory_space<hbm>>
        tpu.wait_dma2 semaphore(%arg25 : memref<!tpu.dma_semaphore, #tpu.memory_space<semaphore_mem>>) src(%dma_wait3A_177 : memref<80xi32, #tpu.memory_space<hbm>>) dst(%arg16 : memref<80xi32, #tpu.memory_space<vmem>>)
        %add3A_178 = arith.constant 3 : i32
        %add3A_179 = arith.addi %add3A_74, %add3A_178 : i32
        %add3A_180 = arith.constant 2 : i32
        %add3A_181 = arith.addi %add3A_179, %add3A_180 : i32
        %dma_start3A_182 = arith.constant 0 : i32
        %dma_start3A_183 = arith.constant 0 : i32
        %dma_start3A_184 = tpu.memref_slice %arg2[%dma_start3A_182, %dma_start3A_183] : memref<320000x128xf32, #tpu.memory_space<hbm>> -> memref<320000x128xf32, #tpu.memory_space<hbm>>
        tpu.enqueue_indirect_dma source(%dma_start3A_184 : memref<320000x128xf32, #tpu.memory_space<hbm>>) target(%arg8 : memref<80x128xf32, #tpu.memory_space<vmem>>) offsets(%arg12 : memref<80xi32, #tpu.memory_space<vmem>>) semaphore(%arg21 : memref<!tpu.dma_semaphore, #tpu.memory_space<semaphore_mem>>)
      } else {
      }
      "tpu.region"() ({
        %run_scoped3A = tpu.sem_alloc : memref<!tpu.dma_semaphore, #tpu.memory_space<semaphore_mem>>
        %dma_start3A_164 = arith.constant 0 : i32
        %dma_start3A_165 = arith.constant 0 : i32
        %dma_start3A_166 = tpu.memref_slice %arg19[%dma_start3A_164, %dma_start3A_165] : memref<10240x128xf32, #tpu.memory_space<vmem_shared>> -> memref<10240x128xf32, #tpu.memory_space<vmem_shared>>
        tpu.enqueue_indirect_dma source(%arg10 : memref<80x128xf32, #tpu.memory_space<vmem>>) target(%dma_start3A_166 : memref<10240x128xf32, #tpu.memory_space<vmem_shared>>) offsets(%arg18 : memref<80xi32, #tpu.memory_space<vmem>>) semaphore(%run_scoped3A : memref<!tpu.dma_semaphore, #tpu.memory_space<semaphore_mem>>) {add = true}
        %dma_wait3A_167 = arith.constant 0 : i32
        %dma_wait3A_168 = arith.constant 0 : i32
        %dma_wait3A_169 = tpu.memref_slice %arg19[%dma_wait3A_167, %dma_wait3A_168] : memref<10240x128xf32, #tpu.memory_space<vmem_shared>> -> memref<10240x128xf32, #tpu.memory_space<vmem_shared>>
        tpu.wait_indirect_dma semaphore(%run_scoped3A : memref<!tpu.dma_semaphore, #tpu.memory_space<semaphore_mem>>) src(%arg10 : memref<80x128xf32, #tpu.memory_space<vmem>>) dst(%dma_wait3A_169 : memref<10240x128xf32, #tpu.memory_space<vmem_shared>>)
        tpu.yield
      }) : () -> ()
      %add3A_155 = arith.constant 3 : i32
      %add3A_156 = arith.addi %add3A_74, %add3A_155 : i32
      %add3A_157 = arith.constant 4 : i32
      %add3A_158 = arith.addi %add3A_156, %add3A_157 : i32
      %lt3A_159 = arith.constant 125 : i32
      %lt3A_160 = arith.cmpi slt, %add3A_158, %lt3A_159 : i32
      %convert_element_type3A_161 = arith.extui %lt3A_160 : i1 to i32
      %cond3A_162 = arith.constant 0 : i32
      %cond3A_163 = arith.cmpi ne, %convert_element_type3A_161, %cond3A_162 : i32
      scf.if %cond3A_163 {
        %add3A_164 = arith.constant 3 : i32
        %add3A_165 = arith.addi %add3A_74, %add3A_164 : i32
        %add3A_166 = arith.constant 4 : i32
        %add3A_167 = arith.addi %add3A_165, %add3A_166 : i32
        %mul3A_168 = arith.constant 80 : i32
        %mul3A_169 = arith.muli %add3A_167, %mul3A_168 : i32
        %add3A_170 = arith.addi %add3A, %mul3A_169 : i32
        %dma_start3A_171 = tpu.memref_slice %arg3[%add3A_170] : memref<320000xi32, #tpu.memory_space<hbm>> -> memref<80xi32, #tpu.memory_space<hbm>>
        %dma_start3A_172 = tpu.memref_slice %arg3[%add3A_170] : memref<320000xi32, #tpu.memory_space<hbm>> -> memref<80xi32, #tpu.memory_space<hbm>>
        tpu.enqueue_dma source(%dma_start3A_172 : memref<80xi32, #tpu.memory_space<hbm>>) target(%arg14 : memref<80xi32, #tpu.memory_space<vmem>>) target_semaphore(%arg27 : memref<!tpu.dma_semaphore, #tpu.memory_space<semaphore_mem>>)
        %mul3A_173 = arith.constant 80 : i32
        %mul3A_174 = arith.muli %add3A_167, %mul3A_173 : i32
        %add3A_175 = arith.addi %mul3A_6, %mul3A_174 : i32
        %dma_start3A_176 = tpu.memref_slice %arg4[%add3A_175] : memref<160000xi32, #tpu.memory_space<hbm>> -> memref<80xi32, #tpu.memory_space<hbm>>
        %dma_start3A_177 = tpu.memref_slice %arg4[%add3A_175] : memref<160000xi32, #tpu.memory_space<hbm>> -> memref<80xi32, #tpu.memory_space<hbm>>
        tpu.enqueue_dma source(%dma_start3A_177 : memref<80xi32, #tpu.memory_space<hbm>>) target(%arg18 : memref<80xi32, #tpu.memory_space<vmem>>) target_semaphore(%arg27 : memref<!tpu.dma_semaphore, #tpu.memory_space<semaphore_mem>>)
      } else {
      }
    }
    %scan3A_62 = arith.constant 31 : i32
    %dma_wait3A_63 = arith.constant 0 : i32
    %dma_wait3A_64 = arith.constant 0 : i32
    %dma_wait3A_65 = tpu.memref_slice %arg2[%dma_wait3A_63, %dma_wait3A_64] : memref<320000x128xf32, #tpu.memory_space<hbm>> -> memref<320000x128xf32, #tpu.memory_space<hbm>>
    tpu.wait_indirect_dma semaphore(%arg20 : memref<!tpu.dma_semaphore, #tpu.memory_space<semaphore_mem>>) src(%dma_wait3A_65 : memref<320000x128xf32, #tpu.memory_space<hbm>>) dst(%arg7 : memref<80x128xf32, #tpu.memory_space<vmem>>)
    "tpu.region"() ({
      %run_scoped3A = tpu.sem_alloc : memref<!tpu.dma_semaphore, #tpu.memory_space<semaphore_mem>>
      %dma_start3A_70 = arith.constant 0 : i32
      %dma_start3A_71 = arith.constant 0 : i32
      %dma_start3A_72 = tpu.memref_slice %arg19[%dma_start3A_70, %dma_start3A_71] : memref<10240x128xf32, #tpu.memory_space<vmem_shared>> -> memref<10240x128xf32, #tpu.memory_space<vmem_shared>>
      tpu.enqueue_indirect_dma source(%arg7 : memref<80x128xf32, #tpu.memory_space<vmem>>) target(%dma_start3A_72 : memref<10240x128xf32, #tpu.memory_space<vmem_shared>>) offsets(%arg15 : memref<80xi32, #tpu.memory_space<vmem>>) semaphore(%run_scoped3A : memref<!tpu.dma_semaphore, #tpu.memory_space<semaphore_mem>>) {add = true}
      %dma_wait3A_73 = arith.constant 0 : i32
      %dma_wait3A_74 = arith.constant 0 : i32
      %dma_wait3A_75 = tpu.memref_slice %arg19[%dma_wait3A_73, %dma_wait3A_74] : memref<10240x128xf32, #tpu.memory_space<vmem_shared>> -> memref<10240x128xf32, #tpu.memory_space<vmem_shared>>
      tpu.wait_indirect_dma semaphore(%run_scoped3A : memref<!tpu.dma_semaphore, #tpu.memory_space<semaphore_mem>>) src(%arg7 : memref<80x128xf32, #tpu.memory_space<vmem>>) dst(%dma_wait3A_75 : memref<10240x128xf32, #tpu.memory_space<vmem_shared>>)
      tpu.yield
    }) : () -> ()
    %barrier3A_66 = arith.constant 0 : index
    tpu.barrier barrier_id(%barrier3A_66)
    %mul3A_67 = arith.constant 10240 : i32
    %mul3A_68 = arith.muli %arg0, %mul3A_67 : i32
    %add3A_69 = arith.addi %mul3A_68, %mul3A_0 : i32
    "tpu.region"() ({
      %run_scoped3A = tpu.sem_alloc : memref<!tpu.dma_semaphore, #tpu.memory_space<semaphore_mem>>
      %dma_start3A_70 = arith.constant 0 : i32
      %dma_start3A_71 = tpu.memref_slice %arg6[%add3A_69, %dma_start3A_70] : memref<20480x128xf32, #tpu.memory_space<hbm>> -> memref<640x128xf32, #tpu.memory_space<hbm>>
      %dma_start3A_72 = arith.constant 0 : i32
      %dma_start3A_73 = tpu.memref_slice %arg19[%mul3A_0, %dma_start3A_72] : memref<10240x128xf32, #tpu.memory_space<vmem_shared>> -> memref<640x128xf32, #tpu.memory_space<vmem_shared>>
      tpu.enqueue_dma source(%dma_start3A_73 : memref<640x128xf32, #tpu.memory_space<vmem_shared>>) target(%dma_start3A_71 : memref<640x128xf32, #tpu.memory_space<hbm>>) target_semaphore(%run_scoped3A : memref<!tpu.dma_semaphore, #tpu.memory_space<semaphore_mem>>)
      %dma_wait3A_74 = arith.constant 0 : i32
      %dma_wait3A_75 = tpu.memref_slice %arg6[%add3A_69, %dma_wait3A_74] : memref<20480x128xf32, #tpu.memory_space<hbm>> -> memref<640x128xf32, #tpu.memory_space<hbm>>
      %dma_wait3A_76 = arith.constant 0 : i32
      %dma_wait3A_77 = tpu.memref_slice %arg19[%mul3A_0, %dma_wait3A_76] : memref<10240x128xf32, #tpu.memory_space<vmem_shared>> -> memref<640x128xf32, #tpu.memory_space<vmem_shared>>
      tpu.wait_dma2 semaphore(%run_scoped3A : memref<!tpu.dma_semaphore, #tpu.memory_space<semaphore_mem>>) src(%dma_wait3A_77 : memref<640x128xf32, #tpu.memory_space<vmem_shared>>) dst(%dma_wait3A_75 : memref<640x128xf32, #tpu.memory_space<hbm>>)
      tpu.yield
    }) : () -> ()
    return
  }
}

module attributes {stable_mosaic.version = 14 : i64} {
  func.func @_edge_prep_body(%arg0: i32, %arg1: memref<16x32000xf32, #tpu.memory_space<vmem>>, %arg2: memref<1x1x32000xi32, #tpu.memory_space<vmem>>, %arg3: memref<2x1x1x32000xi32, #tpu.memory_space<vmem>>) attributes {dimension_semantics = [#tpu.dimension_semantics<arbitrary>], iteration_bounds = array<i64: 5>, scalar_prefetch = 0 : i64, scratch_operands = 0 : i64, tpu.core_type = #tpu.core_type<tc>, window_params = [{transform_indices = @transform_0, window_bounds = array<i64: 16, 32000>}, {transform_indices = @transform_1, window_bounds = array<i64: 1, 1, 32000>}, {transform_indices = @transform_2, window_bounds = array<i64: 2, 1, 1, 32000>}]} {
    %get3A = arith.constant 0 : index
    %get3A_0 = arith.constant 0 : index
    %get3A_1 = vector.load %arg1[%get3A, %get3A_0] : memref<16x32000xf32, #tpu.memory_space<vmem>>, vector<16x32000xf32>
    %reduce_max3A = arith.constant dense<0xFF800000> : vector<32000xf32>
    %reduce_max3A_2 = vector.multi_reduction <maximumf>, %get3A_1, %reduce_max3A [0] : vector<16x32000xf32> to vector<32000xf32>
    %broadcast_in_dim3A = vector.shape_cast %reduce_max3A_2 : vector<32000xf32> to vector<1x32000xf32>
    %iota3A = tpu.iota {dimensions = array<i32: 0>} : vector<16x32000xi32>
    %eq3A = vector.broadcast %broadcast_in_dim3A : vector<1x32000xf32> to vector<16x32000xf32>
    %eq3A_3 = arith.cmpf oeq, %get3A_1, %eq3A : vector<16x32000xf32>
    %jit3A = arith.constant 16 : i32
    %broadcast_in_dim3A_4 = vector.broadcast %jit3A : i32 to vector<16x32000xi32>
    %select_n3A = arith.select %eq3A_3, %iota3A, %broadcast_in_dim3A_4 : vector<16x32000xi1>, vector<16x32000xi32>
    %reduce_min3A = arith.constant dense<2147483647> : vector<32000xi32>
    %reduce_min3A_5 = vector.multi_reduction <minsi>, %select_n3A, %reduce_min3A [0] : vector<16x32000xi32> to vector<32000xi32>
    %mul3A = arith.constant 10000 : i32
    %mul3A_6 = vector.broadcast %mul3A : i32 to vector<32000xi32>
    %mul3A_7 = arith.muli %reduce_min3A_5, %mul3A_6 : vector<32000xi32>
    %get3A_8 = arith.constant 0 : index
    %get3A_9 = arith.constant 0 : index
    %get3A_10 = arith.constant 0 : index
    %get3A_11 = vector.load %arg2[%get3A_8, %get3A_9, %get3A_10] : memref<1x1x32000xi32, #tpu.memory_space<vmem>>, vector<1x1x32000xi32>
    %get3A_12 = vector.shape_cast %get3A_11 : vector<1x1x32000xi32> to vector<32000xi32>
    %add3A = arith.addi %mul3A_7, %get3A_12 : vector<32000xi32>
    %swap3A = arith.constant 0 : index
    %swap3A_13 = arith.constant 0 : index
    %swap3A_14 = arith.constant 0 : index
    %swap3A_15 = arith.constant 0 : index
    %swap3A_16 = vector.load %arg3[%swap3A, %swap3A_13, %swap3A_14, %swap3A_15] : memref<2x1x1x32000xi32, #tpu.memory_space<vmem>>, vector<1x1x1x32000xi32>
    %swap3A_17 = vector.shape_cast %swap3A_16 : vector<1x1x1x32000xi32> to vector<32000xi32>
    %swap3A_18 = vector.shape_cast %add3A : vector<32000xi32> to vector<1x1x1x32000xi32>
    tpu.vector_store %arg3[%swap3A, %swap3A_13, %swap3A_14, %swap3A_15], %swap3A_18 {strides = array<i32>} : memref<2x1x1x32000xi32, #tpu.memory_space<vmem>>, vector<1x1x1x32000xi32>,
    %add3A_19 = arith.constant 160000 : i32
    %add3A_20 = vector.broadcast %add3A_19 : i32 to vector<32000xi32>
    %add3A_21 = arith.addi %add3A, %add3A_20 : vector<32000xi32>
    %swap3A_22 = arith.constant 1 : index
    %swap3A_23 = arith.constant 0 : index
    %swap3A_24 = arith.constant 0 : index
    %swap3A_25 = arith.constant 0 : index
    %swap3A_26 = vector.load %arg3[%swap3A_22, %swap3A_23, %swap3A_24, %swap3A_25] : memref<2x1x1x32000xi32, #tpu.memory_space<vmem>>, vector<1x1x1x32000xi32>
    %swap3A_27 = vector.shape_cast %swap3A_26 : vector<1x1x1x32000xi32> to vector<32000xi32>
    %swap3A_28 = vector.shape_cast %add3A_21 : vector<32000xi32> to vector<1x1x1x32000xi32>
    tpu.vector_store %arg3[%swap3A_22, %swap3A_23, %swap3A_24, %swap3A_25], %swap3A_28 {strides = array<i32>} : memref<2x1x1x32000xi32, #tpu.memory_space<vmem>>, vector<1x1x1x32000xi32>,
    return
  }
  func.func @transform_0(%arg0: i32) -> (i32, i32) {
    %c0_i32 = arith.constant 0 : i32
    %c0_i32_0 = arith.constant 0 : i32
    return %c0_i32, %arg0 : i32, i32
  }
  func.func @transform_1(%arg0: i32) -> (i32, i32, i32) {
    %c0_i32 = arith.constant 0 : i32
    %c0_i32_0 = arith.constant 0 : i32
    %c0_i32_1 = arith.constant 0 : i32
    return %arg0, %c0_i32, %c0_i32_0 : i32, i32, i32
  }
  func.func @transform_2(%arg0: i32) -> (i32, i32, i32, i32) {
    %c0_i32 = arith.constant 0 : i32
    %c0_i32_0 = arith.constant 0 : i32
    %c0_i32_1 = arith.constant 0 : i32
    %c0_i32_2 = arith.constant 0 : i32
    return %c0_i32, %arg0, %c0_i32_0, %c0_i32_1 : i32, i32, i32, i32
  }
}

module attributes {stable_mosaic.version = 14 : i64} {
  func.func @_mlp1_body(%arg0: memref<10000x256xf32, #tpu.memory_space<vmem>>, %arg1: memref<256x256xf32, #tpu.memory_space<vmem>>, %arg2: memref<1x256xf32, #tpu.memory_space<vmem>>, %arg3: memref<1x256xf32, #tpu.memory_space<vmem>>, %arg4: memref<1x256xf32, #tpu.memory_space<vmem>>, %arg5: memref<256x256xf32, #tpu.memory_space<vmem>>, %arg6: memref<1x256xf32, #tpu.memory_space<vmem>>, %arg7: memref<1x256xf32, #tpu.memory_space<vmem>>, %arg8: memref<1x256xf32, #tpu.memory_space<vmem>>, %arg9: memref<10x1x1000xi32, #tpu.memory_space<vmem>>, %arg10: memref<10000x256xf32, #tpu.memory_space<vmem>>, %arg11: memref<64x256xf32, #tpu.memory_space<vmem>>, %arg12: memref<64x128xf32, #tpu.memory_space<vmem>>) attributes {dimension_semantics = [], scalar_prefetch = 0 : i64, scratch_operands = 0 : i64, tpu.core_type = #tpu.core_type<tc>} {
    %get3A = arith.constant 0 : index
    %get3A_0 = arith.constant 0 : index
    %get3A_1 = vector.load %arg0[%get3A, %get3A_0] : memref<10000x256xf32, #tpu.memory_space<vmem>>, vector<10000x256xf32>
    %get3A_2 = arith.constant 0 : index
    %get3A_3 = arith.constant 0 : index
    %get3A_4 = vector.load %arg1[%get3A_2, %get3A_3] : memref<256x256xf32, #tpu.memory_space<vmem>>, vector<256x256xf32>
    %dot_general3A = arith.constant dense<0.000000e+00> : vector<10000x256xf32>
    %dot_general3A_5 = tpu.matmul %get3A_1, %get3A_4, %dot_general3A {dimension_numbers = #tpu.dot_dimension_numbers<[1], [0], [0], [1], [0, 0, 1, 1], [], []>, transpose_lhs_hint = false} : vector<10000x256xf32>, vector<256x256xf32>, vector<10000x256xf32> -> vector<10000x256xf32>
    %get3A_6 = arith.constant 0 : index
    %get3A_7 = arith.constant 0 : index
    %get3A_8 = vector.load %arg2[%get3A_6, %get3A_7] : memref<1x256xf32, #tpu.memory_space<vmem>>, vector<1x256xf32>
    %add3A = vector.broadcast %get3A_8 : vector<1x256xf32> to vector<10000x256xf32>
    %add3A_9 = arith.addf %dot_general3A_5, %add3A : vector<10000x256xf32>
    %get3A_10 = arith.constant 0 : index
    %get3A_11 = arith.constant 0 : index
    %get3A_12 = vector.load %arg3[%get3A_10, %get3A_11] : memref<1x256xf32, #tpu.memory_space<vmem>>, vector<1x256xf32>
    %get3A_13 = arith.constant 0 : index
    %get3A_14 = arith.constant 0 : index
    %get3A_15 = vector.load %arg4[%get3A_13, %get3A_14] : memref<1x256xf32, #tpu.memory_space<vmem>>, vector<1x256xf32>
    %reduce_sum3A = arith.constant dense<0.000000e+00> : vector<256xf32>
    %reduce_sum3A_16 = vector.multi_reduction <add>, %add3A_9, %reduce_sum3A [0] : vector<10000x256xf32> to vector<256xf32>
    %broadcast_in_dim3A = vector.shape_cast %reduce_sum3A_16 : vector<256xf32> to vector<1x256xf32>
    %div3A = arith.constant 1.000000e+04 : f32
    %div3A_17 = vector.broadcast %div3A : f32 to vector<1x256xf32>
    %div3A_18 = arith.divf %broadcast_in_dim3A, %div3A_17 : vector<1x256xf32>
    %sub3A = vector.broadcast %div3A_18 : vector<1x256xf32> to vector<10000x256xf32>
    %sub3A_19 = arith.subf %add3A_9, %sub3A : vector<10000x256xf32>
    %mul3A = arith.mulf %sub3A_19, %sub3A_19 : vector<10000x256xf32>
    %reduce_sum3A_20 = arith.constant dense<0.000000e+00> : vector<256xf32>
    %reduce_sum3A_21 = vector.multi_reduction <add>, %mul3A, %reduce_sum3A_20 [0] : vector<10000x256xf32> to vector<256xf32>
    %broadcast_in_dim3A_22 = vector.shape_cast %reduce_sum3A_21 : vector<256xf32> to vector<1x256xf32>
    %div3A_23 = arith.constant 1.000000e+04 : f32
    %div3A_24 = vector.broadcast %div3A_23 : f32 to vector<1x256xf32>
    %div3A_25 = arith.divf %broadcast_in_dim3A_22, %div3A_24 : vector<1x256xf32>
    %add3A_26 = arith.constant 9.99999974E-6 : f32
    %add3A_27 = vector.broadcast %add3A_26 : f32 to vector<1x256xf32>
    %add3A_28 = arith.addf %div3A_25, %add3A_27 : vector<1x256xf32>
    %rsqrt3A = math.rsqrt %add3A_28 : vector<1x256xf32>
    %mul3A_29 = arith.mulf %get3A_12, %rsqrt3A : vector<1x256xf32>
    %mul3A_30 = vector.broadcast %mul3A_29 : vector<1x256xf32> to vector<10000x256xf32>
    %mul3A_31 = arith.mulf %sub3A_19, %mul3A_30 : vector<10000x256xf32>
    %add3A_32 = vector.broadcast %get3A_15 : vector<1x256xf32> to vector<10000x256xf32>
    %add3A_33 = arith.addf %mul3A_31, %add3A_32 : vector<10000x256xf32>
    %max3A = arith.constant 0.000000e+00 : f32
    %max3A_34 = vector.broadcast %max3A : f32 to vector<10000x256xf32>
    %max3A_35 = arith.maximumf %add3A_33, %max3A_34 : vector<10000x256xf32>
    %get3A_36 = arith.constant 0 : index
    %get3A_37 = arith.constant 0 : index
    %get3A_38 = vector.load %arg5[%get3A_36, %get3A_37] : memref<256x256xf32, #tpu.memory_space<vmem>>, vector<256x256xf32>
    %dot_general3A_39 = arith.constant dense<0.000000e+00> : vector<10000x256xf32>
    %dot_general3A_40 = tpu.matmul %max3A_35, %get3A_38, %dot_general3A_39 {dimension_numbers = #tpu.dot_dimension_numbers<[1], [0], [0], [1], [0, 0, 1, 1], [], []>, transpose_lhs_hint = false} : vector<10000x256xf32>, vector<256x256xf32>, vector<10000x256xf32> -> vector<10000x256xf32>
    %get3A_41 = arith.constant 0 : index
    %get3A_42 = arith.constant 0 : index
    %get3A_43 = vector.load %arg6[%get3A_41, %get3A_42] : memref<1x256xf32, #tpu.memory_space<vmem>>, vector<1x256xf32>
    %add3A_44 = vector.broadcast %get3A_43 : vector<1x256xf32> to vector<10000x256xf32>
    %add3A_45 = arith.addf %dot_general3A_40, %add3A_44 : vector<10000x256xf32>
    %get3A_46 = arith.constant 0 : index
    %get3A_47 = arith.constant 0 : index
    %get3A_48 = vector.load %arg7[%get3A_46, %get3A_47] : memref<1x256xf32, #tpu.memory_space<vmem>>, vector<1x256xf32>
    %get3A_49 = arith.constant 0 : index
    %get3A_50 = arith.constant 0 : index
    %get3A_51 = vector.load %arg8[%get3A_49, %get3A_50] : memref<1x256xf32, #tpu.memory_space<vmem>>, vector<1x256xf32>
    %reduce_sum3A_52 = arith.constant dense<0.000000e+00> : vector<256xf32>
    %reduce_sum3A_53 = vector.multi_reduction <add>, %add3A_45, %reduce_sum3A_52 [0] : vector<10000x256xf32> to vector<256xf32>
    %broadcast_in_dim3A_54 = vector.shape_cast %reduce_sum3A_53 : vector<256xf32> to vector<1x256xf32>
    %div3A_55 = arith.constant 1.000000e+04 : f32
    %div3A_56 = vector.broadcast %div3A_55 : f32 to vector<1x256xf32>
    %div3A_57 = arith.divf %broadcast_in_dim3A_54, %div3A_56 : vector<1x256xf32>
    %sub3A_58 = vector.broadcast %div3A_57 : vector<1x256xf32> to vector<10000x256xf32>
    %sub3A_59 = arith.subf %add3A_45, %sub3A_58 : vector<10000x256xf32>
    %mul3A_60 = arith.mulf %sub3A_59, %sub3A_59 : vector<10000x256xf32>
    %reduce_sum3A_61 = arith.constant dense<0.000000e+00> : vector<256xf32>
    %reduce_sum3A_62 = vector.multi_reduction <add>, %mul3A_60, %reduce_sum3A_61 [0] : vector<10000x256xf32> to vector<256xf32>
    %broadcast_in_dim3A_63 = vector.shape_cast %reduce_sum3A_62 : vector<256xf32> to vector<1x256xf32>
    %div3A_64 = arith.constant 1.000000e+04 : f32
    %div3A_65 = vector.broadcast %div3A_64 : f32 to vector<1x256xf32>
    %div3A_66 = arith.divf %broadcast_in_dim3A_63, %div3A_65 : vector<1x256xf32>
    %add3A_67 = arith.constant 9.99999974E-6 : f32
    %add3A_68 = vector.broadcast %add3A_67 : f32 to vector<1x256xf32>
    %add3A_69 = arith.addf %div3A_66, %add3A_68 : vector<1x256xf32>
    %rsqrt3A_70 = math.rsqrt %add3A_69 : vector<1x256xf32>
    %mul3A_71 = arith.mulf %get3A_48, %rsqrt3A_70 : vector<1x256xf32>
    %mul3A_72 = vector.broadcast %mul3A_71 : vector<1x256xf32> to vector<10000x256xf32>
    %mul3A_73 = arith.mulf %sub3A_59, %mul3A_72 : vector<10000x256xf32>
    %add3A_74 = vector.broadcast %get3A_51 : vector<1x256xf32> to vector<10000x256xf32>
    %add3A_75 = arith.addf %mul3A_73, %add3A_74 : vector<10000x256xf32>
    %max3A_76 = arith.constant 0.000000e+00 : f32
    %max3A_77 = vector.broadcast %max3A_76 : f32 to vector<10000x256xf32>
    %max3A_78 = arith.maximumf %add3A_75, %max3A_77 : vector<10000x256xf32>
    %swap3A = arith.constant 0 : index
    %swap3A_79 = arith.constant 0 : index
    %swap3A_80 = vector.load %arg10[%swap3A, %swap3A_79] : memref<10000x256xf32, #tpu.memory_space<vmem>>, vector<10000x256xf32>
    tpu.vector_store %arg10[%swap3A, %swap3A_79], %max3A_78 {strides = array<i32>} : memref<10000x256xf32, #tpu.memory_space<vmem>>, vector<10000x256xf32>,
    %broadcast_in_dim3A_81 = arith.constant 0.000000e+00 : f32
    %broadcast_in_dim3A_82 = vector.broadcast %broadcast_in_dim3A_81 : f32 to vector<64x256xf32>
    %broadcast_in_dim3A_83 = arith.constant 0.000000e+00 : f32
    %broadcast_in_dim3A_84 = vector.broadcast %broadcast_in_dim3A_83 : f32 to vector<64x128xf32>
    %broadcast_in_dim3A_85 = arith.constant 1.000000e+00 : f32
    %broadcast_in_dim3A_86 = vector.broadcast %broadcast_in_dim3A_85 : f32 to vector<1000x128xf32>
    %get3A_87 = arith.constant 0 : index
    %get3A_88 = arith.constant 0 : index
    %get3A_89 = arith.constant 0 : index
    %get3A_90 = vector.load %arg9[%get3A_87, %get3A_88, %get3A_89] : memref<10x1x1000xi32, #tpu.memory_space<vmem>>, vector<1x1x1000xi32>
    %get3A_91 = vector.shape_cast %get3A_90 : vector<1x1x1000xi32> to vector<1000xi32>
    %iota3A = tpu.iota {dimensions = array<i32: 0>} : vector<64x1000xi32>
    %broadcast_in_dim3A_92 = vector.shape_cast %get3A_91 : vector<1000xi32> to vector<1x1000xi32>
    %eq3A = vector.broadcast %broadcast_in_dim3A_92 : vector<1x1000xi32> to vector<64x1000xi32>
    %eq3A_93 = arith.cmpi eq, %iota3A, %eq3A : vector<64x1000xi32>
    %convert_element_type3A = arith.extui %eq3A_93 : vector<64x1000xi1> to vector<64x1000xi32>
    %convert_element_type3A_94 = arith.sitofp %convert_element_type3A : vector<64x1000xi32> to vector<64x1000xf32>
    %slice3A = vector.extract_strided_slice %max3A_78 {offsets = [0, 0], sizes = [1000, 256], strides = [1, 1]} : vector<10000x256xf32> to vector<1000x256xf32>
    %dot_general3A_95 = arith.constant dense<0.000000e+00> : vector<64x256xf32>
    %dot_general3A_96 = tpu.matmul %convert_element_type3A_94, %slice3A, %dot_general3A_95 {dimension_numbers = #tpu.dot_dimension_numbers<[1], [0], [0], [1], [0, 0, 1, 1], [], []>, transpose_lhs_hint = false} : vector<64x1000xf32>, vector<1000x256xf32>, vector<64x256xf32> -> vector<64x256xf32>
    %add3A_97 = arith.addf %broadcast_in_dim3A_82, %dot_general3A_96 : vector<64x256xf32>
    %dot_general3A_98 = arith.constant dense<0.000000e+00> : vector<64x128xf32>
    %dot_general3A_99 = tpu.matmul %convert_element_type3A_94, %broadcast_in_dim3A_86, %dot_general3A_98 {dimension_numbers = #tpu.dot_dimension_numbers<[1], [0], [0], [1], [0, 0, 1, 1], [], []>, transpose_lhs_hint = false} : vector<64x1000xf32>, vector<1000x128xf32>, vector<64x128xf32> -> vector<64x128xf32>
    %add3A_100 = arith.addf %broadcast_in_dim3A_84, %dot_general3A_99 : vector<64x128xf32>
    %get3A_101 = arith.constant 1 : index
    %get3A_102 = arith.constant 0 : index
    %get3A_103 = arith.constant 0 : index
    %get3A_104 = vector.load %arg9[%get3A_101, %get3A_102, %get3A_103] : memref<10x1x1000xi32, #tpu.memory_space<vmem>>, vector<1x1x1000xi32>
    %get3A_105 = vector.shape_cast %get3A_104 : vector<1x1x1000xi32> to vector<1000xi32>
    %iota3A_106 = tpu.iota {dimensions = array<i32: 0>} : vector<64x1000xi32>
    %broadcast_in_dim3A_107 = vector.shape_cast %get3A_105 : vector<1000xi32> to vector<1x1000xi32>
    %eq3A_108 = vector.broadcast %broadcast_in_dim3A_107 : vector<1x1000xi32> to vector<64x1000xi32>
    %eq3A_109 = arith.cmpi eq, %iota3A_106, %eq3A_108 : vector<64x1000xi32>
    %convert_element_type3A_110 = arith.extui %eq3A_109 : vector<64x1000xi1> to vector<64x1000xi32>
    %convert_element_type3A_111 = arith.sitofp %convert_element_type3A_110 : vector<64x1000xi32> to vector<64x1000xf32>
    %slice3A_112 = vector.extract_strided_slice %max3A_78 {offsets = [1000, 0], sizes = [1000, 256], strides = [1, 1]} : vector<10000x256xf32> to vector<1000x256xf32>
    %dot_general3A_113 = arith.constant dense<0.000000e+00> : vector<64x256xf32>
    %dot_general3A_114 = tpu.matmul %convert_element_type3A_111, %slice3A_112, %dot_general3A_113 {dimension_numbers = #tpu.dot_dimension_numbers<[1], [0], [0], [1], [0, 0, 1, 1], [], []>, transpose_lhs_hint = false} : vector<64x1000xf32>, vector<1000x256xf32>, vector<64x256xf32> -> vector<64x256xf32>
    %add3A_115 = arith.addf %add3A_97, %dot_general3A_114 : vector<64x256xf32>
    %dot_general3A_116 = arith.constant dense<0.000000e+00> : vector<64x128xf32>
    %dot_general3A_117 = tpu.matmul %convert_element_type3A_111, %broadcast_in_dim3A_86, %dot_general3A_116 {dimension_numbers = #tpu.dot_dimension_numbers<[1], [0], [0], [1], [0, 0, 1, 1], [], []>, transpose_lhs_hint = false} : vector<64x1000xf32>, vector<1000x128xf32>, vector<64x128xf32> -> vector<64x128xf32>
    %add3A_118 = arith.addf %add3A_100, %dot_general3A_117 : vector<64x128xf32>
    %get3A_119 = arith.constant 2 : index
    %get3A_120 = arith.constant 0 : index
    %get3A_121 = arith.constant 0 : index
    %get3A_122 = vector.load %arg9[%get3A_119, %get3A_120, %get3A_121] : memref<10x1x1000xi32, #tpu.memory_space<vmem>>, vector<1x1x1000xi32>
    %get3A_123 = vector.shape_cast %get3A_122 : vector<1x1x1000xi32> to vector<1000xi32>
    %iota3A_124 = tpu.iota {dimensions = array<i32: 0>} : vector<64x1000xi32>
    %broadcast_in_dim3A_125 = vector.shape_cast %get3A_123 : vector<1000xi32> to vector<1x1000xi32>
    %eq3A_126 = vector.broadcast %broadcast_in_dim3A_125 : vector<1x1000xi32> to vector<64x1000xi32>
    %eq3A_127 = arith.cmpi eq, %iota3A_124, %eq3A_126 : vector<64x1000xi32>
    %convert_element_type3A_128 = arith.extui %eq3A_127 : vector<64x1000xi1> to vector<64x1000xi32>
    %convert_element_type3A_129 = arith.sitofp %convert_element_type3A_128 : vector<64x1000xi32> to vector<64x1000xf32>
    %slice3A_130 = vector.extract_strided_slice %max3A_78 {offsets = [2000, 0], sizes = [1000, 256], strides = [1, 1]} : vector<10000x256xf32> to vector<1000x256xf32>
    %dot_general3A_131 = arith.constant dense<0.000000e+00> : vector<64x256xf32>
    %dot_general3A_132 = tpu.matmul %convert_element_type3A_129, %slice3A_130, %dot_general3A_131 {dimension_numbers = #tpu.dot_dimension_numbers<[1], [0], [0], [1], [0, 0, 1, 1], [], []>, transpose_lhs_hint = false} : vector<64x1000xf32>, vector<1000x256xf32>, vector<64x256xf32> -> vector<64x256xf32>
    %add3A_133 = arith.addf %add3A_115, %dot_general3A_132 : vector<64x256xf32>
    %dot_general3A_134 = arith.constant dense<0.000000e+00> : vector<64x128xf32>
    %dot_general3A_135 = tpu.matmul %convert_element_type3A_129, %broadcast_in_dim3A_86, %dot_general3A_134 {dimension_numbers = #tpu.dot_dimension_numbers<[1], [0], [0], [1], [0, 0, 1, 1], [], []>, transpose_lhs_hint = false} : vector<64x1000xf32>, vector<1000x128xf32>, vector<64x128xf32> -> vector<64x128xf32>
    %add3A_136 = arith.addf %add3A_118, %dot_general3A_135 : vector<64x128xf32>
    %get3A_137 = arith.constant 3 : index
    %get3A_138 = arith.constant 0 : index
    %get3A_139 = arith.constant 0 : index
    %get3A_140 = vector.load %arg9[%get3A_137, %get3A_138, %get3A_139] : memref<10x1x1000xi32, #tpu.memory_space<vmem>>, vector<1x1x1000xi32>
    %get3A_141 = vector.shape_cast %get3A_140 : vector<1x1x1000xi32> to vector<1000xi32>
    %iota3A_142 = tpu.iota {dimensions = array<i32: 0>} : vector<64x1000xi32>
    %broadcast_in_dim3A_143 = vector.shape_cast %get3A_141 : vector<1000xi32> to vector<1x1000xi32>
    %eq3A_144 = vector.broadcast %broadcast_in_dim3A_143 : vector<1x1000xi32> to vector<64x1000xi32>
    %eq3A_145 = arith.cmpi eq, %iota3A_142, %eq3A_144 : vector<64x1000xi32>
    %convert_element_type3A_146 = arith.extui %eq3A_145 : vector<64x1000xi1> to vector<64x1000xi32>
    %convert_element_type3A_147 = arith.sitofp %convert_element_type3A_146 : vector<64x1000xi32> to vector<64x1000xf32>
    %slice3A_148 = vector.extract_strided_slice %max3A_78 {offsets = [3000, 0], sizes = [1000, 256], strides = [1, 1]} : vector<10000x256xf32> to vector<1000x256xf32>
    %dot_general3A_149 = arith.constant dense<0.000000e+00> : vector<64x256xf32>
    %dot_general3A_150 = tpu.matmul %convert_element_type3A_147, %slice3A_148, %dot_general3A_149 {dimension_numbers = #tpu.dot_dimension_numbers<[1], [0], [0], [1], [0, 0, 1, 1], [], []>, transpose_lhs_hint = false} : vector<64x1000xf32>, vector<1000x256xf32>, vector<64x256xf32> -> vector<64x256xf32>
    %add3A_151 = arith.addf %add3A_133, %dot_general3A_150 : vector<64x256xf32>
    %dot_general3A_152 = arith.constant dense<0.000000e+00> : vector<64x128xf32>
    %dot_general3A_153 = tpu.matmul %convert_element_type3A_147, %broadcast_in_dim3A_86, %dot_general3A_152 {dimension_numbers = #tpu.dot_dimension_numbers<[1], [0], [0], [1], [0, 0, 1, 1], [], []>, transpose_lhs_hint = false} : vector<64x1000xf32>, vector<1000x128xf32>, vector<64x128xf32> -> vector<64x128xf32>
    %add3A_154 = arith.addf %add3A_136, %dot_general3A_153 : vector<64x128xf32>
    %get3A_155 = arith.constant 4 : index
    %get3A_156 = arith.constant 0 : index
    %get3A_157 = arith.constant 0 : index
    %get3A_158 = vector.load %arg9[%get3A_155, %get3A_156, %get3A_157] : memref<10x1x1000xi32, #tpu.memory_space<vmem>>, vector<1x1x1000xi32>
    %get3A_159 = vector.shape_cast %get3A_158 : vector<1x1x1000xi32> to vector<1000xi32>
    %iota3A_160 = tpu.iota {dimensions = array<i32: 0>} : vector<64x1000xi32>
    %broadcast_in_dim3A_161 = vector.shape_cast %get3A_159 : vector<1000xi32> to vector<1x1000xi32>
    %eq3A_162 = vector.broadcast %broadcast_in_dim3A_161 : vector<1x1000xi32> to vector<64x1000xi32>
    %eq3A_163 = arith.cmpi eq, %iota3A_160, %eq3A_162 : vector<64x1000xi32>
    %convert_element_type3A_164 = arith.extui %eq3A_163 : vector<64x1000xi1> to vector<64x1000xi32>
    %convert_element_type3A_165 = arith.sitofp %convert_element_type3A_164 : vector<64x1000xi32> to vector<64x1000xf32>
    %slice3A_166 = vector.extract_strided_slice %max3A_78 {offsets = [4000, 0], sizes = [1000, 256], strides = [1, 1]} : vector<10000x256xf32> to vector<1000x256xf32>
    %dot_general3A_167 = arith.constant dense<0.000000e+00> : vector<64x256xf32>
    %dot_general3A_168 = tpu.matmul %convert_element_type3A_165, %slice3A_166, %dot_general3A_167 {dimension_numbers = #tpu.dot_dimension_numbers<[1], [0], [0], [1], [0, 0, 1, 1], [], []>, transpose_lhs_hint = false} : vector<64x1000xf32>, vector<1000x256xf32>, vector<64x256xf32> -> vector<64x256xf32>
    %add3A_169 = arith.addf %add3A_151, %dot_general3A_168 : vector<64x256xf32>
    %dot_general3A_170 = arith.constant dense<0.000000e+00> : vector<64x128xf32>
    %dot_general3A_171 = tpu.matmul %convert_element_type3A_165, %broadcast_in_dim3A_86, %dot_general3A_170 {dimension_numbers = #tpu.dot_dimension_numbers<[1], [0], [0], [1], [0, 0, 1, 1], [], []>, transpose_lhs_hint = false} : vector<64x1000xf32>, vector<1000x128xf32>, vector<64x128xf32> -> vector<64x128xf32>
    %add3A_172 = arith.addf %add3A_154, %dot_general3A_171 : vector<64x128xf32>
    %get3A_173 = arith.constant 5 : index
    %get3A_174 = arith.constant 0 : index
    %get3A_175 = arith.constant 0 : index
    %get3A_176 = vector.load %arg9[%get3A_173, %get3A_174, %get3A_175] : memref<10x1x1000xi32, #tpu.memory_space<vmem>>, vector<1x1x1000xi32>
    %get3A_177 = vector.shape_cast %get3A_176 : vector<1x1x1000xi32> to vector<1000xi32>
    %iota3A_178 = tpu.iota {dimensions = array<i32: 0>} : vector<64x1000xi32>
    %broadcast_in_dim3A_179 = vector.shape_cast %get3A_177 : vector<1000xi32> to vector<1x1000xi32>
    %eq3A_180 = vector.broadcast %broadcast_in_dim3A_179 : vector<1x1000xi32> to vector<64x1000xi32>
    %eq3A_181 = arith.cmpi eq, %iota3A_178, %eq3A_180 : vector<64x1000xi32>
    %convert_element_type3A_182 = arith.extui %eq3A_181 : vector<64x1000xi1> to vector<64x1000xi32>
    %convert_element_type3A_183 = arith.sitofp %convert_element_type3A_182 : vector<64x1000xi32> to vector<64x1000xf32>
    %slice3A_184 = vector.extract_strided_slice %max3A_78 {offsets = [5000, 0], sizes = [1000, 256], strides = [1, 1]} : vector<10000x256xf32> to vector<1000x256xf32>
    %dot_general3A_185 = arith.constant dense<0.000000e+00> : vector<64x256xf32>
    %dot_general3A_186 = tpu.matmul %convert_element_type3A_183, %slice3A_184, %dot_general3A_185 {dimension_numbers = #tpu.dot_dimension_numbers<[1], [0], [0], [1], [0, 0, 1, 1], [], []>, transpose_lhs_hint = false} : vector<64x1000xf32>, vector<1000x256xf32>, vector<64x256xf32> -> vector<64x256xf32>
    %add3A_187 = arith.addf %add3A_169, %dot_general3A_186 : vector<64x256xf32>
    %dot_general3A_188 = arith.constant dense<0.000000e+00> : vector<64x128xf32>
    %dot_general3A_189 = tpu.matmul %convert_element_type3A_183, %broadcast_in_dim3A_86, %dot_general3A_188 {dimension_numbers = #tpu.dot_dimension_numbers<[1], [0], [0], [1], [0, 0, 1, 1], [], []>, transpose_lhs_hint = false} : vector<64x1000xf32>, vector<1000x128xf32>, vector<64x128xf32> -> vector<64x128xf32>
    %add3A_190 = arith.addf %add3A_172, %dot_general3A_189 : vector<64x128xf32>
    %get3A_191 = arith.constant 6 : index
    %get3A_192 = arith.constant 0 : index
    %get3A_193 = arith.constant 0 : index
    %get3A_194 = vector.load %arg9[%get3A_191, %get3A_192, %get3A_193] : memref<10x1x1000xi32, #tpu.memory_space<vmem>>, vector<1x1x1000xi32>
    %get3A_195 = vector.shape_cast %get3A_194 : vector<1x1x1000xi32> to vector<1000xi32>
    %iota3A_196 = tpu.iota {dimensions = array<i32: 0>} : vector<64x1000xi32>
    %broadcast_in_dim3A_197 = vector.shape_cast %get3A_195 : vector<1000xi32> to vector<1x1000xi32>
    %eq3A_198 = vector.broadcast %broadcast_in_dim3A_197 : vector<1x1000xi32> to vector<64x1000xi32>
    %eq3A_199 = arith.cmpi eq, %iota3A_196, %eq3A_198 : vector<64x1000xi32>
    %convert_element_type3A_200 = arith.extui %eq3A_199 : vector<64x1000xi1> to vector<64x1000xi32>
    %convert_element_type3A_201 = arith.sitofp %convert_element_type3A_200 : vector<64x1000xi32> to vector<64x1000xf32>
    %slice3A_202 = vector.extract_strided_slice %max3A_78 {offsets = [6000, 0], sizes = [1000, 256], strides = [1, 1]} : vector<10000x256xf32> to vector<1000x256xf32>
    %dot_general3A_203 = arith.constant dense<0.000000e+00> : vector<64x256xf32>
    %dot_general3A_204 = tpu.matmul %convert_element_type3A_201, %slice3A_202, %dot_general3A_203 {dimension_numbers = #tpu.dot_dimension_numbers<[1], [0], [0], [1], [0, 0, 1, 1], [], []>, transpose_lhs_hint = false} : vector<64x1000xf32>, vector<1000x256xf32>, vector<64x256xf32> -> vector<64x256xf32>
    %add3A_205 = arith.addf %add3A_187, %dot_general3A_204 : vector<64x256xf32>
    %dot_general3A_206 = arith.constant dense<0.000000e+00> : vector<64x128xf32>
    %dot_general3A_207 = tpu.matmul %convert_element_type3A_201, %broadcast_in_dim3A_86, %dot_general3A_206 {dimension_numbers = #tpu.dot_dimension_numbers<[1], [0], [0], [1], [0, 0, 1, 1], [], []>, transpose_lhs_hint = false} : vector<64x1000xf32>, vector<1000x128xf32>, vector<64x128xf32> -> vector<64x128xf32>
    %add3A_208 = arith.addf %add3A_190, %dot_general3A_207 : vector<64x128xf32>
    %get3A_209 = arith.constant 7 : index
    %get3A_210 = arith.constant 0 : index
    %get3A_211 = arith.constant 0 : index
    %get3A_212 = vector.load %arg9[%get3A_209, %get3A_210, %get3A_211] : memref<10x1x1000xi32, #tpu.memory_space<vmem>>, vector<1x1x1000xi32>
    %get3A_213 = vector.shape_cast %get3A_212 : vector<1x1x1000xi32> to vector<1000xi32>
    %iota3A_214 = tpu.iota {dimensions = array<i32: 0>} : vector<64x1000xi32>
    %broadcast_in_dim3A_215 = vector.shape_cast %get3A_213 : vector<1000xi32> to vector<1x1000xi32>
    %eq3A_216 = vector.broadcast %broadcast_in_dim3A_215 : vector<1x1000xi32> to vector<64x1000xi32>
    %eq3A_217 = arith.cmpi eq, %iota3A_214, %eq3A_216 : vector<64x1000xi32>
    %convert_element_type3A_218 = arith.extui %eq3A_217 : vector<64x1000xi1> to vector<64x1000xi32>
    %convert_element_type3A_219 = arith.sitofp %convert_element_type3A_218 : vector<64x1000xi32> to vector<64x1000xf32>
    %slice3A_220 = vector.extract_strided_slice %max3A_78 {offsets = [7000, 0], sizes = [1000, 256], strides = [1, 1]} : vector<10000x256xf32> to vector<1000x256xf32>
    %dot_general3A_221 = arith.constant dense<0.000000e+00> : vector<64x256xf32>
    %dot_general3A_222 = tpu.matmul %convert_element_type3A_219, %slice3A_220, %dot_general3A_221 {dimension_numbers = #tpu.dot_dimension_numbers<[1], [0], [0], [1], [0, 0, 1, 1], [], []>, transpose_lhs_hint = false} : vector<64x1000xf32>, vector<1000x256xf32>, vector<64x256xf32> -> vector<64x256xf32>
    %add3A_223 = arith.addf %add3A_205, %dot_general3A_222 : vector<64x256xf32>
    %dot_general3A_224 = arith.constant dense<0.000000e+00> : vector<64x128xf32>
    %dot_general3A_225 = tpu.matmul %convert_element_type3A_219, %broadcast_in_dim3A_86, %dot_general3A_224 {dimension_numbers = #tpu.dot_dimension_numbers<[1], [0], [0], [1], [0, 0, 1, 1], [], []>, transpose_lhs_hint = false} : vector<64x1000xf32>, vector<1000x128xf32>, vector<64x128xf32> -> vector<64x128xf32>
    %add3A_226 = arith.addf %add3A_208, %dot_general3A_225 : vector<64x128xf32>
    %get3A_227 = arith.constant 8 : index
    %get3A_228 = arith.constant 0 : index
    %get3A_229 = arith.constant 0 : index
    %get3A_230 = vector.load %arg9[%get3A_227, %get3A_228, %get3A_229] : memref<10x1x1000xi32, #tpu.memory_space<vmem>>, vector<1x1x1000xi32>
    %get3A_231 = vector.shape_cast %get3A_230 : vector<1x1x1000xi32> to vector<1000xi32>
    %iota3A_232 = tpu.iota {dimensions = array<i32: 0>} : vector<64x1000xi32>
    %broadcast_in_dim3A_233 = vector.shape_cast %get3A_231 : vector<1000xi32> to vector<1x1000xi32>
    %eq3A_234 = vector.broadcast %broadcast_in_dim3A_233 : vector<1x1000xi32> to vector<64x1000xi32>
    %eq3A_235 = arith.cmpi eq, %iota3A_232, %eq3A_234 : vector<64x1000xi32>
    %convert_element_type3A_236 = arith.extui %eq3A_235 : vector<64x1000xi1> to vector<64x1000xi32>
    %convert_element_type3A_237 = arith.sitofp %convert_element_type3A_236 : vector<64x1000xi32> to vector<64x1000xf32>
    %slice3A_238 = vector.extract_strided_slice %max3A_78 {offsets = [8000, 0], sizes = [1000, 256], strides = [1, 1]} : vector<10000x256xf32> to vector<1000x256xf32>
    %dot_general3A_239 = arith.constant dense<0.000000e+00> : vector<64x256xf32>
    %dot_general3A_240 = tpu.matmul %convert_element_type3A_237, %slice3A_238, %dot_general3A_239 {dimension_numbers = #tpu.dot_dimension_numbers<[1], [0], [0], [1], [0, 0, 1, 1], [], []>, transpose_lhs_hint = false} : vector<64x1000xf32>, vector<1000x256xf32>, vector<64x256xf32> -> vector<64x256xf32>
    %add3A_241 = arith.addf %add3A_223, %dot_general3A_240 : vector<64x256xf32>
    %dot_general3A_242 = arith.constant dense<0.000000e+00> : vector<64x128xf32>
    %dot_general3A_243 = tpu.matmul %convert_element_type3A_237, %broadcast_in_dim3A_86, %dot_general3A_242 {dimension_numbers = #tpu.dot_dimension_numbers<[1], [0], [0], [1], [0, 0, 1, 1], [], []>, transpose_lhs_hint = false} : vector<64x1000xf32>, vector<1000x128xf32>, vector<64x128xf32> -> vector<64x128xf32>
    %add3A_244 = arith.addf %add3A_226, %dot_general3A_243 : vector<64x128xf32>
    %get3A_245 = arith.constant 9 : index
    %get3A_246 = arith.constant 0 : index
    %get3A_247 = arith.constant 0 : index
    %get3A_248 = vector.load %arg9[%get3A_245, %get3A_246, %get3A_247] : memref<10x1x1000xi32, #tpu.memory_space<vmem>>, vector<1x1x1000xi32>
    %get3A_249 = vector.shape_cast %get3A_248 : vector<1x1x1000xi32> to vector<1000xi32>
    %iota3A_250 = tpu.iota {dimensions = array<i32: 0>} : vector<64x1000xi32>
    %broadcast_in_dim3A_251 = vector.shape_cast %get3A_249 : vector<1000xi32> to vector<1x1000xi32>
    %eq3A_252 = vector.broadcast %broadcast_in_dim3A_251 : vector<1x1000xi32> to vector<64x1000xi32>
    %eq3A_253 = arith.cmpi eq, %iota3A_250, %eq3A_252 : vector<64x1000xi32>
    %convert_element_type3A_254 = arith.extui %eq3A_253 : vector<64x1000xi1> to vector<64x1000xi32>
    %convert_element_type3A_255 = arith.sitofp %convert_element_type3A_254 : vector<64x1000xi32> to vector<64x1000xf32>
    %slice3A_256 = vector.extract_strided_slice %max3A_78 {offsets = [9000, 0], sizes = [1000, 256], strides = [1, 1]} : vector<10000x256xf32> to vector<1000x256xf32>
    %dot_general3A_257 = arith.constant dense<0.000000e+00> : vector<64x256xf32>
    %dot_general3A_258 = tpu.matmul %convert_element_type3A_255, %slice3A_256, %dot_general3A_257 {dimension_numbers = #tpu.dot_dimension_numbers<[1], [0], [0], [1], [0, 0, 1, 1], [], []>, transpose_lhs_hint = false} : vector<64x1000xf32>, vector<1000x256xf32>, vector<64x256xf32> -> vector<64x256xf32>
    %add3A_259 = arith.addf %add3A_241, %dot_general3A_258 : vector<64x256xf32>
    %dot_general3A_260 = arith.constant dense<0.000000e+00> : vector<64x128xf32>
    %dot_general3A_261 = tpu.matmul %convert_element_type3A_255, %broadcast_in_dim3A_86, %dot_general3A_260 {dimension_numbers = #tpu.dot_dimension_numbers<[1], [0], [0], [1], [0, 0, 1, 1], [], []>, transpose_lhs_hint = false} : vector<64x1000xf32>, vector<1000x128xf32>, vector<64x128xf32> -> vector<64x128xf32>
    %add3A_262 = arith.addf %add3A_244, %dot_general3A_261 : vector<64x128xf32>
    %swap3A_263 = arith.constant 0 : index
    %swap3A_264 = arith.constant 0 : index
    %swap3A_265 = vector.load %arg11[%swap3A_263, %swap3A_264] : memref<64x256xf32, #tpu.memory_space<vmem>>, vector<64x256xf32>
    tpu.vector_store %arg11[%swap3A_263, %swap3A_264], %add3A_259 {strides = array<i32>} : memref<64x256xf32, #tpu.memory_space<vmem>>, vector<64x256xf32>,
    %swap3A_266 = arith.constant 0 : index
    %swap3A_267 = arith.constant 0 : index
    %swap3A_268 = vector.load %arg12[%swap3A_266, %swap3A_267] : memref<64x128xf32, #tpu.memory_space<vmem>>, vector<64x128xf32>
    tpu.vector_store %arg12[%swap3A_266, %swap3A_267], %add3A_262 {strides = array<i32>} : memref<64x128xf32, #tpu.memory_space<vmem>>, vector<64x128xf32>,
    return
  }
}

module attributes {stable_mosaic.version = 14 : i64} {
  func.func @_rel_body(%arg0: i32, %arg1: i32, %arg2: memref<1000x256xf32, #tpu.memory_space<vmem>>, %arg3: memref<1x256x2048xf32, #tpu.memory_space<vmem>>, %arg4: memref<1x16x1000x128xf32, #tpu.memory_space<vmem>>) attributes {dimension_semantics = [#tpu.dimension_semantics<arbitrary>, #tpu.dimension_semantics<arbitrary>], iteration_bounds = array<i64: 2, 10>, scalar_prefetch = 0 : i64, scratch_operands = 0 : i64, tpu.core_type = #tpu.core_type<tc>, window_params = [{transform_indices = @transform_0, window_bounds = array<i64: 1000, 256>}, {transform_indices = @transform_1, window_bounds = array<i64: 1, 256, 2048>}, {transform_indices = @transform_2, window_bounds = array<i64: 1, 16, 1000, 128>}]} {
    %get3A = arith.constant 0 : index
    %get3A_0 = arith.constant 0 : index
    %get3A_1 = vector.load %arg2[%get3A, %get3A_0] : memref<1000x256xf32, #tpu.memory_space<vmem>>, vector<1000x256xf32>
    %get3A_2 = arith.constant 0 : index
    %get3A_3 = arith.constant 0 : index
    %get3A_4 = arith.constant 0 : index
    %get3A_5 = vector.load %arg3[%get3A_2, %get3A_3, %get3A_4] : memref<1x256x2048xf32, #tpu.memory_space<vmem>>, vector<1x256x2048xf32>
    %get3A_6 = vector.shape_cast %get3A_5 : vector<1x256x2048xf32> to vector<256x2048xf32>
    %dot_general3A = arith.constant dense<0.000000e+00> : vector<1000x2048xf32>
    %dot_general3A_7 = tpu.matmul %get3A_1, %get3A_6, %dot_general3A {dimension_numbers = #tpu.dot_dimension_numbers<[1], [0], [0], [1], [0, 0, 1, 1], [], []>, transpose_lhs_hint = false} : vector<1000x256xf32>, vector<256x2048xf32>, vector<1000x2048xf32> -> vector<1000x2048xf32>
    %slice3A = vector.extract_strided_slice %dot_general3A_7 {offsets = [0, 0], sizes = [1000, 128], strides = [1, 1]} : vector<1000x2048xf32> to vector<1000x128xf32>
    %swap3A = arith.constant 0 : index
    %swap3A_8 = arith.constant 0 : index
    %swap3A_9 = arith.constant 0 : index
    %swap3A_10 = arith.constant 0 : index
    %swap3A_11 = vector.load %arg4[%swap3A, %swap3A_8, %swap3A_9, %swap3A_10] : memref<1x16x1000x128xf32, #tpu.memory_space<vmem>>, vector<1x1x1000x128xf32>
    %swap3A_12 = vector.shape_cast %swap3A_11 : vector<1x1x1000x128xf32> to vector<1000x128xf32>
    %swap3A_13 = vector.shape_cast %slice3A : vector<1000x128xf32> to vector<1x1x1000x128xf32>
    tpu.vector_store %arg4[%swap3A, %swap3A_8, %swap3A_9, %swap3A_10], %swap3A_13 {strides = array<i32>} : memref<1x16x1000x128xf32, #tpu.memory_space<vmem>>, vector<1x1x1000x128xf32>,
    %slice3A_14 = vector.extract_strided_slice %dot_general3A_7 {offsets = [0, 128], sizes = [1000, 128], strides = [1, 1]} : vector<1000x2048xf32> to vector<1000x128xf32>
    %swap3A_15 = arith.constant 0 : index
    %swap3A_16 = arith.constant 1 : index
    %swap3A_17 = arith.constant 0 : index
    %swap3A_18 = arith.constant 0 : index
    %swap3A_19 = vector.load %arg4[%swap3A_15, %swap3A_16, %swap3A_17, %swap3A_18] : memref<1x16x1000x128xf32, #tpu.memory_space<vmem>>, vector<1x1x1000x128xf32>
    %swap3A_20 = vector.shape_cast %swap3A_19 : vector<1x1x1000x128xf32> to vector<1000x128xf32>
    %swap3A_21 = vector.shape_cast %slice3A_14 : vector<1000x128xf32> to vector<1x1x1000x128xf32>
    tpu.vector_store %arg4[%swap3A_15, %swap3A_16, %swap3A_17, %swap3A_18], %swap3A_21 {strides = array<i32>} : memref<1x16x1000x128xf32, #tpu.memory_space<vmem>>, vector<1x1x1000x128xf32>,
    %slice3A_22 = vector.extract_strided_slice %dot_general3A_7 {offsets = [0, 256], sizes = [1000, 128], strides = [1, 1]} : vector<1000x2048xf32> to vector<1000x128xf32>
    %swap3A_23 = arith.constant 0 : index
    %swap3A_24 = arith.constant 2 : index
    %swap3A_25 = arith.constant 0 : index
    %swap3A_26 = arith.constant 0 : index
    %swap3A_27 = vector.load %arg4[%swap3A_23, %swap3A_24, %swap3A_25, %swap3A_26] : memref<1x16x1000x128xf32, #tpu.memory_space<vmem>>, vector<1x1x1000x128xf32>
    %swap3A_28 = vector.shape_cast %swap3A_27 : vector<1x1x1000x128xf32> to vector<1000x128xf32>
    %swap3A_29 = vector.shape_cast %slice3A_22 : vector<1000x128xf32> to vector<1x1x1000x128xf32>
    tpu.vector_store %arg4[%swap3A_23, %swap3A_24, %swap3A_25, %swap3A_26], %swap3A_29 {strides = array<i32>} : memref<1x16x1000x128xf32, #tpu.memory_space<vmem>>, vector<1x1x1000x128xf32>,
    %slice3A_30 = vector.extract_strided_slice %dot_general3A_7 {offsets = [0, 384], sizes = [1000, 128], strides = [1, 1]} : vector<1000x2048xf32> to vector<1000x128xf32>
    %swap3A_31 = arith.constant 0 : index
    %swap3A_32 = arith.constant 3 : index
    %swap3A_33 = arith.constant 0 : index
    %swap3A_34 = arith.constant 0 : index
    %swap3A_35 = vector.load %arg4[%swap3A_31, %swap3A_32, %swap3A_33, %swap3A_34] : memref<1x16x1000x128xf32, #tpu.memory_space<vmem>>, vector<1x1x1000x128xf32>
    %swap3A_36 = vector.shape_cast %swap3A_35 : vector<1x1x1000x128xf32> to vector<1000x128xf32>
    %swap3A_37 = vector.shape_cast %slice3A_30 : vector<1000x128xf32> to vector<1x1x1000x128xf32>
    tpu.vector_store %arg4[%swap3A_31, %swap3A_32, %swap3A_33, %swap3A_34], %swap3A_37 {strides = array<i32>} : memref<1x16x1000x128xf32, #tpu.memory_space<vmem>>, vector<1x1x1000x128xf32>,
    %slice3A_38 = vector.extract_strided_slice %dot_general3A_7 {offsets = [0, 512], sizes = [1000, 128], strides = [1, 1]} : vector<1000x2048xf32> to vector<1000x128xf32>
    %swap3A_39 = arith.constant 0 : index
    %swap3A_40 = arith.constant 4 : index
    %swap3A_41 = arith.constant 0 : index
    %swap3A_42 = arith.constant 0 : index
    %swap3A_43 = vector.load %arg4[%swap3A_39, %swap3A_40, %swap3A_41, %swap3A_42] : memref<1x16x1000x128xf32, #tpu.memory_space<vmem>>, vector<1x1x1000x128xf32>
    %swap3A_44 = vector.shape_cast %swap3A_43 : vector<1x1x1000x128xf32> to vector<1000x128xf32>
    %swap3A_45 = vector.shape_cast %slice3A_38 : vector<1000x128xf32> to vector<1x1x1000x128xf32>
    tpu.vector_store %arg4[%swap3A_39, %swap3A_40, %swap3A_41, %swap3A_42], %swap3A_45 {strides = array<i32>} : memref<1x16x1000x128xf32, #tpu.memory_space<vmem>>, vector<1x1x1000x128xf32>,
    %slice3A_46 = vector.extract_strided_slice %dot_general3A_7 {offsets = [0, 640], sizes = [1000, 128], strides = [1, 1]} : vector<1000x2048xf32> to vector<1000x128xf32>
    %swap3A_47 = arith.constant 0 : index
    %swap3A_48 = arith.constant 5 : index
    %swap3A_49 = arith.constant 0 : index
    %swap3A_50 = arith.constant 0 : index
    %swap3A_51 = vector.load %arg4[%swap3A_47, %swap3A_48, %swap3A_49, %swap3A_50] : memref<1x16x1000x128xf32, #tpu.memory_space<vmem>>, vector<1x1x1000x128xf32>
    %swap3A_52 = vector.shape_cast %swap3A_51 : vector<1x1x1000x128xf32> to vector<1000x128xf32>
    %swap3A_53 = vector.shape_cast %slice3A_46 : vector<1000x128xf32> to vector<1x1x1000x128xf32>
    tpu.vector_store %arg4[%swap3A_47, %swap3A_48, %swap3A_49, %swap3A_50], %swap3A_53 {strides = array<i32>} : memref<1x16x1000x128xf32, #tpu.memory_space<vmem>>, vector<1x1x1000x128xf32>,
    %slice3A_54 = vector.extract_strided_slice %dot_general3A_7 {offsets = [0, 768], sizes = [1000, 128], strides = [1, 1]} : vector<1000x2048xf32> to vector<1000x128xf32>
    %swap3A_55 = arith.constant 0 : index
    %swap3A_56 = arith.constant 6 : index
    %swap3A_57 = arith.constant 0 : index
    %swap3A_58 = arith.constant 0 : index
    %swap3A_59 = vector.load %arg4[%swap3A_55, %swap3A_56, %swap3A_57, %swap3A_58] : memref<1x16x1000x128xf32, #tpu.memory_space<vmem>>, vector<1x1x1000x128xf32>
    %swap3A_60 = vector.shape_cast %swap3A_59 : vector<1x1x1000x128xf32> to vector<1000x128xf32>
    %swap3A_61 = vector.shape_cast %slice3A_54 : vector<1000x128xf32> to vector<1x1x1000x128xf32>
    tpu.vector_store %arg4[%swap3A_55, %swap3A_56, %swap3A_57, %swap3A_58], %swap3A_61 {strides = array<i32>} : memref<1x16x1000x128xf32, #tpu.memory_space<vmem>>, vector<1x1x1000x128xf32>,
    %slice3A_62 = vector.extract_strided_slice %dot_general3A_7 {offsets = [0, 896], sizes = [1000, 128], strides = [1, 1]} : vector<1000x2048xf32> to vector<1000x128xf32>
    %swap3A_63 = arith.constant 0 : index
    %swap3A_64 = arith.constant 7 : index
    %swap3A_65 = arith.constant 0 : index
    %swap3A_66 = arith.constant 0 : index
    %swap3A_67 = vector.load %arg4[%swap3A_63, %swap3A_64, %swap3A_65, %swap3A_66] : memref<1x16x1000x128xf32, #tpu.memory_space<vmem>>, vector<1x1x1000x128xf32>
    %swap3A_68 = vector.shape_cast %swap3A_67 : vector<1x1x1000x128xf32> to vector<1000x128xf32>
    %swap3A_69 = vector.shape_cast %slice3A_62 : vector<1000x128xf32> to vector<1x1x1000x128xf32>
    tpu.vector_store %arg4[%swap3A_63, %swap3A_64, %swap3A_65, %swap3A_66], %swap3A_69 {strides = array<i32>} : memref<1x16x1000x128xf32, #tpu.memory_space<vmem>>, vector<1x1x1000x128xf32>,
    %slice3A_70 = vector.extract_strided_slice %dot_general3A_7 {offsets = [0, 1024], sizes = [1000, 128], strides = [1, 1]} : vector<1000x2048xf32> to vector<1000x128xf32>
    %swap3A_71 = arith.constant 0 : index
    %swap3A_72 = arith.constant 8 : index
    %swap3A_73 = arith.constant 0 : index
    %swap3A_74 = arith.constant 0 : index
    %swap3A_75 = vector.load %arg4[%swap3A_71, %swap3A_72, %swap3A_73, %swap3A_74] : memref<1x16x1000x128xf32, #tpu.memory_space<vmem>>, vector<1x1x1000x128xf32>
    %swap3A_76 = vector.shape_cast %swap3A_75 : vector<1x1x1000x128xf32> to vector<1000x128xf32>
    %swap3A_77 = vector.shape_cast %slice3A_70 : vector<1000x128xf32> to vector<1x1x1000x128xf32>
    tpu.vector_store %arg4[%swap3A_71, %swap3A_72, %swap3A_73, %swap3A_74], %swap3A_77 {strides = array<i32>} : memref<1x16x1000x128xf32, #tpu.memory_space<vmem>>, vector<1x1x1000x128xf32>,
    %slice3A_78 = vector.extract_strided_slice %dot_general3A_7 {offsets = [0, 1152], sizes = [1000, 128], strides = [1, 1]} : vector<1000x2048xf32> to vector<1000x128xf32>
    %swap3A_79 = arith.constant 0 : index
    %swap3A_80 = arith.constant 9 : index
    %swap3A_81 = arith.constant 0 : index
    %swap3A_82 = arith.constant 0 : index
    %swap3A_83 = vector.load %arg4[%swap3A_79, %swap3A_80, %swap3A_81, %swap3A_82] : memref<1x16x1000x128xf32, #tpu.memory_space<vmem>>, vector<1x1x1000x128xf32>
    %swap3A_84 = vector.shape_cast %swap3A_83 : vector<1x1x1000x128xf32> to vector<1000x128xf32>
    %swap3A_85 = vector.shape_cast %slice3A_78 : vector<1000x128xf32> to vector<1x1x1000x128xf32>
    tpu.vector_store %arg4[%swap3A_79, %swap3A_80, %swap3A_81, %swap3A_82], %swap3A_85 {strides = array<i32>} : memref<1x16x1000x128xf32, #tpu.memory_space<vmem>>, vector<1x1x1000x128xf32>,
    %slice3A_86 = vector.extract_strided_slice %dot_general3A_7 {offsets = [0, 1280], sizes = [1000, 128], strides = [1, 1]} : vector<1000x2048xf32> to vector<1000x128xf32>
    %swap3A_87 = arith.constant 0 : index
    %swap3A_88 = arith.constant 10 : index
    %swap3A_89 = arith.constant 0 : index
    %swap3A_90 = arith.constant 0 : index
    %swap3A_91 = vector.load %arg4[%swap3A_87, %swap3A_88, %swap3A_89, %swap3A_90] : memref<1x16x1000x128xf32, #tpu.memory_space<vmem>>, vector<1x1x1000x128xf32>
    %swap3A_92 = vector.shape_cast %swap3A_91 : vector<1x1x1000x128xf32> to vector<1000x128xf32>
    %swap3A_93 = vector.shape_cast %slice3A_86 : vector<1000x128xf32> to vector<1x1x1000x128xf32>
    tpu.vector_store %arg4[%swap3A_87, %swap3A_88, %swap3A_89, %swap3A_90], %swap3A_93 {strides = array<i32>} : memref<1x16x1000x128xf32, #tpu.memory_space<vmem>>, vector<1x1x1000x128xf32>,
    %slice3A_94 = vector.extract_strided_slice %dot_general3A_7 {offsets = [0, 1408], sizes = [1000, 128], strides = [1, 1]} : vector<1000x2048xf32> to vector<1000x128xf32>
    %swap3A_95 = arith.constant 0 : index
    %swap3A_96 = arith.constant 11 : index
    %swap3A_97 = arith.constant 0 : index
    %swap3A_98 = arith.constant 0 : index
    %swap3A_99 = vector.load %arg4[%swap3A_95, %swap3A_96, %swap3A_97, %swap3A_98] : memref<1x16x1000x128xf32, #tpu.memory_space<vmem>>, vector<1x1x1000x128xf32>
    %swap3A_100 = vector.shape_cast %swap3A_99 : vector<1x1x1000x128xf32> to vector<1000x128xf32>
    %swap3A_101 = vector.shape_cast %slice3A_94 : vector<1000x128xf32> to vector<1x1x1000x128xf32>
    tpu.vector_store %arg4[%swap3A_95, %swap3A_96, %swap3A_97, %swap3A_98], %swap3A_101 {strides = array<i32>} : memref<1x16x1000x128xf32, #tpu.memory_space<vmem>>, vector<1x1x1000x128xf32>,
    %slice3A_102 = vector.extract_strided_slice %dot_general3A_7 {offsets = [0, 1536], sizes = [1000, 128], strides = [1, 1]} : vector<1000x2048xf32> to vector<1000x128xf32>
    %swap3A_103 = arith.constant 0 : index
    %swap3A_104 = arith.constant 12 : index
    %swap3A_105 = arith.constant 0 : index
    %swap3A_106 = arith.constant 0 : index
    %swap3A_107 = vector.load %arg4[%swap3A_103, %swap3A_104, %swap3A_105, %swap3A_106] : memref<1x16x1000x128xf32, #tpu.memory_space<vmem>>, vector<1x1x1000x128xf32>
    %swap3A_108 = vector.shape_cast %swap3A_107 : vector<1x1x1000x128xf32> to vector<1000x128xf32>
    %swap3A_109 = vector.shape_cast %slice3A_102 : vector<1000x128xf32> to vector<1x1x1000x128xf32>
    tpu.vector_store %arg4[%swap3A_103, %swap3A_104, %swap3A_105, %swap3A_106], %swap3A_109 {strides = array<i32>} : memref<1x16x1000x128xf32, #tpu.memory_space<vmem>>, vector<1x1x1000x128xf32>,
    %slice3A_110 = vector.extract_strided_slice %dot_general3A_7 {offsets = [0, 1664], sizes = [1000, 128], strides = [1, 1]} : vector<1000x2048xf32> to vector<1000x128xf32>
    %swap3A_111 = arith.constant 0 : index
    %swap3A_112 = arith.constant 13 : index
    %swap3A_113 = arith.constant 0 : index
    %swap3A_114 = arith.constant 0 : index
    %swap3A_115 = vector.load %arg4[%swap3A_111, %swap3A_112, %swap3A_113, %swap3A_114] : memref<1x16x1000x128xf32, #tpu.memory_space<vmem>>, vector<1x1x1000x128xf32>
    %swap3A_116 = vector.shape_cast %swap3A_115 : vector<1x1x1000x128xf32> to vector<1000x128xf32>
    %swap3A_117 = vector.shape_cast %slice3A_110 : vector<1000x128xf32> to vector<1x1x1000x128xf32>
    tpu.vector_store %arg4[%swap3A_111, %swap3A_112, %swap3A_113, %swap3A_114], %swap3A_117 {strides = array<i32>} : memref<1x16x1000x128xf32, #tpu.memory_space<vmem>>, vector<1x1x1000x128xf32>,
    %slice3A_118 = vector.extract_strided_slice %dot_general3A_7 {offsets = [0, 1792], sizes = [1000, 128], strides = [1, 1]} : vector<1000x2048xf32> to vector<1000x128xf32>
    %swap3A_119 = arith.constant 0 : index
    %swap3A_120 = arith.constant 14 : index
    %swap3A_121 = arith.constant 0 : index
    %swap3A_122 = arith.constant 0 : index
    %swap3A_123 = vector.load %arg4[%swap3A_119, %swap3A_120, %swap3A_121, %swap3A_122] : memref<1x16x1000x128xf32, #tpu.memory_space<vmem>>, vector<1x1x1000x128xf32>
    %swap3A_124 = vector.shape_cast %swap3A_123 : vector<1x1x1000x128xf32> to vector<1000x128xf32>
    %swap3A_125 = vector.shape_cast %slice3A_118 : vector<1000x128xf32> to vector<1x1x1000x128xf32>
    tpu.vector_store %arg4[%swap3A_119, %swap3A_120, %swap3A_121, %swap3A_122], %swap3A_125 {strides = array<i32>} : memref<1x16x1000x128xf32, #tpu.memory_space<vmem>>, vector<1x1x1000x128xf32>,
    %slice3A_126 = vector.extract_strided_slice %dot_general3A_7 {offsets = [0, 1920], sizes = [1000, 128], strides = [1, 1]} : vector<1000x2048xf32> to vector<1000x128xf32>
    %swap3A_127 = arith.constant 0 : index
    %swap3A_128 = arith.constant 15 : index
    %swap3A_129 = arith.constant 0 : index
    %swap3A_130 = arith.constant 0 : index
    %swap3A_131 = vector.load %arg4[%swap3A_127, %swap3A_128, %swap3A_129, %swap3A_130] : memref<1x16x1000x128xf32, #tpu.memory_space<vmem>>, vector<1x1x1000x128xf32>
    %swap3A_132 = vector.shape_cast %swap3A_131 : vector<1x1x1000x128xf32> to vector<1000x128xf32>
    %swap3A_133 = vector.shape_cast %slice3A_126 : vector<1000x128xf32> to vector<1x1x1000x128xf32>
    tpu.vector_store %arg4[%swap3A_127, %swap3A_128, %swap3A_129, %swap3A_130], %swap3A_133 {strides = array<i32>} : memref<1x16x1000x128xf32, #tpu.memory_space<vmem>>, vector<1x1x1000x128xf32>,
    return
  }
  func.func @transform_0(%arg0: i32, %arg1: i32) -> (i32, i32) {
    %c0_i32 = arith.constant 0 : i32
    %c0_i32_0 = arith.constant 0 : i32
    return %arg1, %c0_i32 : i32, i32
  }
  func.func @transform_1(%arg0: i32, %arg1: i32) -> (i32, i32, i32) {
    %c0_i32 = arith.constant 0 : i32
    %c0_i32_0 = arith.constant 0 : i32
    %c0_i32_1 = arith.constant 0 : i32
    return %arg0, %c0_i32, %c0_i32_0 : i32, i32, i32
  }
  func.func @transform_2(%arg0: i32, %arg1: i32) -> (i32, i32, i32, i32) {
    %c0_i32 = arith.constant 0 : i32
    %c0_i32_0 = arith.constant 0 : i32
    %c0_i32_1 = arith.constant 0 : i32
    return %arg0, %c0_i32, %arg1, %c0_i32_0 : i32, i32, i32, i32
  }
}

module attributes {stable_mosaic.version = 14 : i64} {
  func.func @_tail_body(%arg0: memref<10000x256xf32, #tpu.memory_space<vmem>>, %arg1: memref<256x256xf32, #tpu.memory_space<vmem>>, %arg2: memref<1x256xf32, #tpu.memory_space<vmem>>, %arg3: memref<2x10240x128xf32, #tpu.memory_space<vmem>>, %arg4: memref<256x256xf32, #tpu.memory_space<vmem>>, %arg5: memref<1x256xf32, #tpu.memory_space<vmem>>, %arg6: memref<1x256xf32, #tpu.memory_space<vmem>>, %arg7: memref<1x256xf32, #tpu.memory_space<vmem>>, %arg8: memref<256x256xf32, #tpu.memory_space<vmem>>, %arg9: memref<1x256xf32, #tpu.memory_space<vmem>>, %arg10: memref<1x256xf32, #tpu.memory_space<vmem>>, %arg11: memref<1x256xf32, #tpu.memory_space<vmem>>, %arg12: memref<10x1x1000xi32, #tpu.memory_space<vmem>>, %arg13: memref<64x256xf32, #tpu.memory_space<vmem>>, %arg14: memref<64x128xf32, #tpu.memory_space<vmem>>, %arg15: memref<256x10xf32, #tpu.memory_space<vmem>>, %arg16: memref<1x10xf32, #tpu.memory_space<vmem>>, %arg17: memref<256x10xf32, #tpu.memory_space<vmem>>, %arg18: memref<1x10xf32, #tpu.memory_space<vmem>>, %arg19: memref<64x10xf32, #tpu.memory_space<vmem>>) attributes {dimension_semantics = [], scalar_prefetch = 0 : i64, scratch_operands = 0 : i64, tpu.core_type = #tpu.core_type<tc>} {
    %get3A = arith.constant 0 : index
    %get3A_0 = arith.constant 0 : index
    %get3A_1 = vector.load %arg0[%get3A, %get3A_0] : memref<10000x256xf32, #tpu.memory_space<vmem>>, vector<10000x256xf32>
    %get3A_2 = arith.constant 0 : index
    %get3A_3 = arith.constant 0 : index
    %get3A_4 = vector.load %arg1[%get3A_2, %get3A_3] : memref<256x256xf32, #tpu.memory_space<vmem>>, vector<256x256xf32>
    %dot_general3A = arith.constant dense<0.000000e+00> : vector<10000x256xf32>
    %dot_general3A_5 = tpu.matmul %get3A_1, %get3A_4, %dot_general3A {dimension_numbers = #tpu.dot_dimension_numbers<[1], [0], [0], [1], [0, 0, 1, 1], [], []>, transpose_lhs_hint = false} : vector<10000x256xf32>, vector<256x256xf32>, vector<10000x256xf32> -> vector<10000x256xf32>
    %get3A_6 = arith.constant 0 : index
    %get3A_7 = arith.constant 0 : index
    %get3A_8 = vector.load %arg2[%get3A_6, %get3A_7] : memref<1x256xf32, #tpu.memory_space<vmem>>, vector<1x256xf32>
    %add3A = vector.broadcast %get3A_8 : vector<1x256xf32> to vector<10000x256xf32>
    %add3A_9 = arith.addf %dot_general3A_5, %add3A : vector<10000x256xf32>
    %get3A_10 = arith.constant 0 : index
    %get3A_11 = arith.constant 0 : index
    %get3A_12 = arith.constant 0 : index
    %get3A_13 = vector.load %arg3[%get3A_10, %get3A_11, %get3A_12] : memref<2x10240x128xf32, #tpu.memory_space<vmem>>, vector<1x10000x128xf32>
    %get3A_14 = vector.shape_cast %get3A_13 : vector<1x10000x128xf32> to vector<10000x128xf32>
    %get3A_15 = arith.constant 1 : index
    %get3A_16 = arith.constant 0 : index
    %get3A_17 = arith.constant 0 : index
    %get3A_18 = vector.load %arg3[%get3A_15, %get3A_16, %get3A_17] : memref<2x10240x128xf32, #tpu.memory_space<vmem>>, vector<1x10000x128xf32>
    %get3A_19 = vector.shape_cast %get3A_18 : vector<1x10000x128xf32> to vector<10000x128xf32>
    %concatenate3A = tpu.concatenate %get3A_14, %get3A_19 in 1 : vector<10000x128xf32>, vector<10000x128xf32> -> vector<10000x256xf32>
    %add3A_20 = arith.addf %add3A_9, %concatenate3A : vector<10000x256xf32>
    %get3A_21 = arith.constant 0 : index
    %get3A_22 = arith.constant 0 : index
    %get3A_23 = vector.load %arg4[%get3A_21, %get3A_22] : memref<256x256xf32, #tpu.memory_space<vmem>>, vector<256x256xf32>
    %dot_general3A_24 = arith.constant dense<0.000000e+00> : vector<10000x256xf32>
    %dot_general3A_25 = tpu.matmul %add3A_20, %get3A_23, %dot_general3A_24 {dimension_numbers = #tpu.dot_dimension_numbers<[1], [0], [0], [1], [0, 0, 1, 1], [], []>, transpose_lhs_hint = false} : vector<10000x256xf32>, vector<256x256xf32>, vector<10000x256xf32> -> vector<10000x256xf32>
    %get3A_26 = arith.constant 0 : index
    %get3A_27 = arith.constant 0 : index
    %get3A_28 = vector.load %arg5[%get3A_26, %get3A_27] : memref<1x256xf32, #tpu.memory_space<vmem>>, vector<1x256xf32>
    %add3A_29 = vector.broadcast %get3A_28 : vector<1x256xf32> to vector<10000x256xf32>
    %add3A_30 = arith.addf %dot_general3A_25, %add3A_29 : vector<10000x256xf32>
    %get3A_31 = arith.constant 0 : index
    %get3A_32 = arith.constant 0 : index
    %get3A_33 = vector.load %arg6[%get3A_31, %get3A_32] : memref<1x256xf32, #tpu.memory_space<vmem>>, vector<1x256xf32>
    %get3A_34 = arith.constant 0 : index
    %get3A_35 = arith.constant 0 : index
    %get3A_36 = vector.load %arg7[%get3A_34, %get3A_35] : memref<1x256xf32, #tpu.memory_space<vmem>>, vector<1x256xf32>
    %reduce_sum3A = arith.constant dense<0.000000e+00> : vector<256xf32>
    %reduce_sum3A_37 = vector.multi_reduction <add>, %add3A_30, %reduce_sum3A [0] : vector<10000x256xf32> to vector<256xf32>
    %broadcast_in_dim3A = vector.shape_cast %reduce_sum3A_37 : vector<256xf32> to vector<1x256xf32>
    %div3A = arith.constant 1.000000e+04 : f32
    %div3A_38 = vector.broadcast %div3A : f32 to vector<1x256xf32>
    %div3A_39 = arith.divf %broadcast_in_dim3A, %div3A_38 : vector<1x256xf32>
    %sub3A = vector.broadcast %div3A_39 : vector<1x256xf32> to vector<10000x256xf32>
    %sub3A_40 = arith.subf %add3A_30, %sub3A : vector<10000x256xf32>
    %mul3A = arith.mulf %sub3A_40, %sub3A_40 : vector<10000x256xf32>
    %reduce_sum3A_41 = arith.constant dense<0.000000e+00> : vector<256xf32>
    %reduce_sum3A_42 = vector.multi_reduction <add>, %mul3A, %reduce_sum3A_41 [0] : vector<10000x256xf32> to vector<256xf32>
    %broadcast_in_dim3A_43 = vector.shape_cast %reduce_sum3A_42 : vector<256xf32> to vector<1x256xf32>
    %div3A_44 = arith.constant 1.000000e+04 : f32
    %div3A_45 = vector.broadcast %div3A_44 : f32 to vector<1x256xf32>
    %div3A_46 = arith.divf %broadcast_in_dim3A_43, %div3A_45 : vector<1x256xf32>
    %add3A_47 = arith.constant 9.99999974E-6 : f32
    %add3A_48 = vector.broadcast %add3A_47 : f32 to vector<1x256xf32>
    %add3A_49 = arith.addf %div3A_46, %add3A_48 : vector<1x256xf32>
    %rsqrt3A = math.rsqrt %add3A_49 : vector<1x256xf32>
    %mul3A_50 = arith.mulf %get3A_33, %rsqrt3A : vector<1x256xf32>
    %mul3A_51 = vector.broadcast %mul3A_50 : vector<1x256xf32> to vector<10000x256xf32>
    %mul3A_52 = arith.mulf %sub3A_40, %mul3A_51 : vector<10000x256xf32>
    %add3A_53 = vector.broadcast %get3A_36 : vector<1x256xf32> to vector<10000x256xf32>
    %add3A_54 = arith.addf %mul3A_52, %add3A_53 : vector<10000x256xf32>
    %max3A = arith.constant 0.000000e+00 : f32
    %max3A_55 = vector.broadcast %max3A : f32 to vector<10000x256xf32>
    %max3A_56 = arith.maximumf %add3A_54, %max3A_55 : vector<10000x256xf32>
    %get3A_57 = arith.constant 0 : index
    %get3A_58 = arith.constant 0 : index
    %get3A_59 = vector.load %arg8[%get3A_57, %get3A_58] : memref<256x256xf32, #tpu.memory_space<vmem>>, vector<256x256xf32>
    %dot_general3A_60 = arith.constant dense<0.000000e+00> : vector<10000x256xf32>
    %dot_general3A_61 = tpu.matmul %max3A_56, %get3A_59, %dot_general3A_60 {dimension_numbers = #tpu.dot_dimension_numbers<[1], [0], [0], [1], [0, 0, 1, 1], [], []>, transpose_lhs_hint = false} : vector<10000x256xf32>, vector<256x256xf32>, vector<10000x256xf32> -> vector<10000x256xf32>
    %get3A_62 = arith.constant 0 : index
    %get3A_63 = arith.constant 0 : index
    %get3A_64 = vector.load %arg9[%get3A_62, %get3A_63] : memref<1x256xf32, #tpu.memory_space<vmem>>, vector<1x256xf32>
    %add3A_65 = vector.broadcast %get3A_64 : vector<1x256xf32> to vector<10000x256xf32>
    %add3A_66 = arith.addf %dot_general3A_61, %add3A_65 : vector<10000x256xf32>
    %get3A_67 = arith.constant 0 : index
    %get3A_68 = arith.constant 0 : index
    %get3A_69 = vector.load %arg10[%get3A_67, %get3A_68] : memref<1x256xf32, #tpu.memory_space<vmem>>, vector<1x256xf32>
    %get3A_70 = arith.constant 0 : index
    %get3A_71 = arith.constant 0 : index
    %get3A_72 = vector.load %arg11[%get3A_70, %get3A_71] : memref<1x256xf32, #tpu.memory_space<vmem>>, vector<1x256xf32>
    %reduce_sum3A_73 = arith.constant dense<0.000000e+00> : vector<256xf32>
    %reduce_sum3A_74 = vector.multi_reduction <add>, %add3A_66, %reduce_sum3A_73 [0] : vector<10000x256xf32> to vector<256xf32>
    %broadcast_in_dim3A_75 = vector.shape_cast %reduce_sum3A_74 : vector<256xf32> to vector<1x256xf32>
    %div3A_76 = arith.constant 1.000000e+04 : f32
    %div3A_77 = vector.broadcast %div3A_76 : f32 to vector<1x256xf32>
    %div3A_78 = arith.divf %broadcast_in_dim3A_75, %div3A_77 : vector<1x256xf32>
    %sub3A_79 = vector.broadcast %div3A_78 : vector<1x256xf32> to vector<10000x256xf32>
    %sub3A_80 = arith.subf %add3A_66, %sub3A_79 : vector<10000x256xf32>
    %mul3A_81 = arith.mulf %sub3A_80, %sub3A_80 : vector<10000x256xf32>
    %reduce_sum3A_82 = arith.constant dense<0.000000e+00> : vector<256xf32>
    %reduce_sum3A_83 = vector.multi_reduction <add>, %mul3A_81, %reduce_sum3A_82 [0] : vector<10000x256xf32> to vector<256xf32>
    %broadcast_in_dim3A_84 = vector.shape_cast %reduce_sum3A_83 : vector<256xf32> to vector<1x256xf32>
    %div3A_85 = arith.constant 1.000000e+04 : f32
    %div3A_86 = vector.broadcast %div3A_85 : f32 to vector<1x256xf32>
    %div3A_87 = arith.divf %broadcast_in_dim3A_84, %div3A_86 : vector<1x256xf32>
    %add3A_88 = arith.constant 9.99999974E-6 : f32
    %add3A_89 = vector.broadcast %add3A_88 : f32 to vector<1x256xf32>
    %add3A_90 = arith.addf %div3A_87, %add3A_89 : vector<1x256xf32>
    %rsqrt3A_91 = math.rsqrt %add3A_90 : vector<1x256xf32>
    %mul3A_92 = arith.mulf %get3A_69, %rsqrt3A_91 : vector<1x256xf32>
    %mul3A_93 = vector.broadcast %mul3A_92 : vector<1x256xf32> to vector<10000x256xf32>
    %mul3A_94 = arith.mulf %sub3A_80, %mul3A_93 : vector<10000x256xf32>
    %add3A_95 = vector.broadcast %get3A_72 : vector<1x256xf32> to vector<10000x256xf32>
    %add3A_96 = arith.addf %mul3A_94, %add3A_95 : vector<10000x256xf32>
    %max3A_97 = arith.constant 0.000000e+00 : f32
    %max3A_98 = vector.broadcast %max3A_97 : f32 to vector<10000x256xf32>
    %max3A_99 = arith.maximumf %add3A_96, %max3A_98 : vector<10000x256xf32>
    %broadcast_in_dim3A_100 = arith.constant 0.000000e+00 : f32
    %broadcast_in_dim3A_101 = vector.broadcast %broadcast_in_dim3A_100 : f32 to vector<64x256xf32>
    %get3A_102 = arith.constant 0 : index
    %get3A_103 = arith.constant 0 : index
    %get3A_104 = arith.constant 0 : index
    %get3A_105 = vector.load %arg12[%get3A_102, %get3A_103, %get3A_104] : memref<10x1x1000xi32, #tpu.memory_space<vmem>>, vector<1x1x1000xi32>
    %get3A_106 = vector.shape_cast %get3A_105 : vector<1x1x1000xi32> to vector<1000xi32>
    %iota3A = tpu.iota {dimensions = array<i32: 0>} : vector<64x1000xi32>
    %broadcast_in_dim3A_107 = vector.shape_cast %get3A_106 : vector<1000xi32> to vector<1x1000xi32>
    %eq3A = vector.broadcast %broadcast_in_dim3A_107 : vector<1x1000xi32> to vector<64x1000xi32>
    %eq3A_108 = arith.cmpi eq, %iota3A, %eq3A : vector<64x1000xi32>
    %convert_element_type3A = arith.extui %eq3A_108 : vector<64x1000xi1> to vector<64x1000xi32>
    %convert_element_type3A_109 = arith.sitofp %convert_element_type3A : vector<64x1000xi32> to vector<64x1000xf32>
    %slice3A = vector.extract_strided_slice %max3A_99 {offsets = [0, 0], sizes = [1000, 256], strides = [1, 1]} : vector<10000x256xf32> to vector<1000x256xf32>
    %dot_general3A_110 = arith.constant dense<0.000000e+00> : vector<64x256xf32>
    %dot_general3A_111 = tpu.matmul %convert_element_type3A_109, %slice3A, %dot_general3A_110 {dimension_numbers = #tpu.dot_dimension_numbers<[1], [0], [0], [1], [0, 0, 1, 1], [], []>, transpose_lhs_hint = false} : vector<64x1000xf32>, vector<1000x256xf32>, vector<64x256xf32> -> vector<64x256xf32>
    %add3A_112 = arith.addf %broadcast_in_dim3A_101, %dot_general3A_111 : vector<64x256xf32>
    %get3A_113 = arith.constant 1 : index
    %get3A_114 = arith.constant 0 : index
    %get3A_115 = arith.constant 0 : index
    %get3A_116 = vector.load %arg12[%get3A_113, %get3A_114, %get3A_115] : memref<10x1x1000xi32, #tpu.memory_space<vmem>>, vector<1x1x1000xi32>
    %get3A_117 = vector.shape_cast %get3A_116 : vector<1x1x1000xi32> to vector<1000xi32>
    %iota3A_118 = tpu.iota {dimensions = array<i32: 0>} : vector<64x1000xi32>
    %broadcast_in_dim3A_119 = vector.shape_cast %get3A_117 : vector<1000xi32> to vector<1x1000xi32>
    %eq3A_120 = vector.broadcast %broadcast_in_dim3A_119 : vector<1x1000xi32> to vector<64x1000xi32>
    %eq3A_121 = arith.cmpi eq, %iota3A_118, %eq3A_120 : vector<64x1000xi32>
    %convert_element_type3A_122 = arith.extui %eq3A_121 : vector<64x1000xi1> to vector<64x1000xi32>
    %convert_element_type3A_123 = arith.sitofp %convert_element_type3A_122 : vector<64x1000xi32> to vector<64x1000xf32>
    %slice3A_124 = vector.extract_strided_slice %max3A_99 {offsets = [1000, 0], sizes = [1000, 256], strides = [1, 1]} : vector<10000x256xf32> to vector<1000x256xf32>
    %dot_general3A_125 = arith.constant dense<0.000000e+00> : vector<64x256xf32>
    %dot_general3A_126 = tpu.matmul %convert_element_type3A_123, %slice3A_124, %dot_general3A_125 {dimension_numbers = #tpu.dot_dimension_numbers<[1], [0], [0], [1], [0, 0, 1, 1], [], []>, transpose_lhs_hint = false} : vector<64x1000xf32>, vector<1000x256xf32>, vector<64x256xf32> -> vector<64x256xf32>
    %add3A_127 = arith.addf %add3A_112, %dot_general3A_126 : vector<64x256xf32>
    %get3A_128 = arith.constant 2 : index
    %get3A_129 = arith.constant 0 : index
    %get3A_130 = arith.constant 0 : index
    %get3A_131 = vector.load %arg12[%get3A_128, %get3A_129, %get3A_130] : memref<10x1x1000xi32, #tpu.memory_space<vmem>>, vector<1x1x1000xi32>
    %get3A_132 = vector.shape_cast %get3A_131 : vector<1x1x1000xi32> to vector<1000xi32>
    %iota3A_133 = tpu.iota {dimensions = array<i32: 0>} : vector<64x1000xi32>
    %broadcast_in_dim3A_134 = vector.shape_cast %get3A_132 : vector<1000xi32> to vector<1x1000xi32>
    %eq3A_135 = vector.broadcast %broadcast_in_dim3A_134 : vector<1x1000xi32> to vector<64x1000xi32>
    %eq3A_136 = arith.cmpi eq, %iota3A_133, %eq3A_135 : vector<64x1000xi32>
    %convert_element_type3A_137 = arith.extui %eq3A_136 : vector<64x1000xi1> to vector<64x1000xi32>
    %convert_element_type3A_138 = arith.sitofp %convert_element_type3A_137 : vector<64x1000xi32> to vector<64x1000xf32>
    %slice3A_139 = vector.extract_strided_slice %max3A_99 {offsets = [2000, 0], sizes = [1000, 256], strides = [1, 1]} : vector<10000x256xf32> to vector<1000x256xf32>
    %dot_general3A_140 = arith.constant dense<0.000000e+00> : vector<64x256xf32>
    %dot_general3A_141 = tpu.matmul %convert_element_type3A_138, %slice3A_139, %dot_general3A_140 {dimension_numbers = #tpu.dot_dimension_numbers<[1], [0], [0], [1], [0, 0, 1, 1], [], []>, transpose_lhs_hint = false} : vector<64x1000xf32>, vector<1000x256xf32>, vector<64x256xf32> -> vector<64x256xf32>
    %add3A_142 = arith.addf %add3A_127, %dot_general3A_141 : vector<64x256xf32>
    %get3A_143 = arith.constant 3 : index
    %get3A_144 = arith.constant 0 : index
    %get3A_145 = arith.constant 0 : index
    %get3A_146 = vector.load %arg12[%get3A_143, %get3A_144, %get3A_145] : memref<10x1x1000xi32, #tpu.memory_space<vmem>>, vector<1x1x1000xi32>
    %get3A_147 = vector.shape_cast %get3A_146 : vector<1x1x1000xi32> to vector<1000xi32>
    %iota3A_148 = tpu.iota {dimensions = array<i32: 0>} : vector<64x1000xi32>
    %broadcast_in_dim3A_149 = vector.shape_cast %get3A_147 : vector<1000xi32> to vector<1x1000xi32>
    %eq3A_150 = vector.broadcast %broadcast_in_dim3A_149 : vector<1x1000xi32> to vector<64x1000xi32>
    %eq3A_151 = arith.cmpi eq, %iota3A_148, %eq3A_150 : vector<64x1000xi32>
    %convert_element_type3A_152 = arith.extui %eq3A_151 : vector<64x1000xi1> to vector<64x1000xi32>
    %convert_element_type3A_153 = arith.sitofp %convert_element_type3A_152 : vector<64x1000xi32> to vector<64x1000xf32>
    %slice3A_154 = vector.extract_strided_slice %max3A_99 {offsets = [3000, 0], sizes = [1000, 256], strides = [1, 1]} : vector<10000x256xf32> to vector<1000x256xf32>
    %dot_general3A_155 = arith.constant dense<0.000000e+00> : vector<64x256xf32>
    %dot_general3A_156 = tpu.matmul %convert_element_type3A_153, %slice3A_154, %dot_general3A_155 {dimension_numbers = #tpu.dot_dimension_numbers<[1], [0], [0], [1], [0, 0, 1, 1], [], []>, transpose_lhs_hint = false} : vector<64x1000xf32>, vector<1000x256xf32>, vector<64x256xf32> -> vector<64x256xf32>
    %add3A_157 = arith.addf %add3A_142, %dot_general3A_156 : vector<64x256xf32>
    %get3A_158 = arith.constant 4 : index
    %get3A_159 = arith.constant 0 : index
    %get3A_160 = arith.constant 0 : index
    %get3A_161 = vector.load %arg12[%get3A_158, %get3A_159, %get3A_160] : memref<10x1x1000xi32, #tpu.memory_space<vmem>>, vector<1x1x1000xi32>
    %get3A_162 = vector.shape_cast %get3A_161 : vector<1x1x1000xi32> to vector<1000xi32>
    %iota3A_163 = tpu.iota {dimensions = array<i32: 0>} : vector<64x1000xi32>
    %broadcast_in_dim3A_164 = vector.shape_cast %get3A_162 : vector<1000xi32> to vector<1x1000xi32>
    %eq3A_165 = vector.broadcast %broadcast_in_dim3A_164 : vector<1x1000xi32> to vector<64x1000xi32>
    %eq3A_166 = arith.cmpi eq, %iota3A_163, %eq3A_165 : vector<64x1000xi32>
    %convert_element_type3A_167 = arith.extui %eq3A_166 : vector<64x1000xi1> to vector<64x1000xi32>
    %convert_element_type3A_168 = arith.sitofp %convert_element_type3A_167 : vector<64x1000xi32> to vector<64x1000xf32>
    %slice3A_169 = vector.extract_strided_slice %max3A_99 {offsets = [4000, 0], sizes = [1000, 256], strides = [1, 1]} : vector<10000x256xf32> to vector<1000x256xf32>
    %dot_general3A_170 = arith.constant dense<0.000000e+00> : vector<64x256xf32>
    %dot_general3A_171 = tpu.matmul %convert_element_type3A_168, %slice3A_169, %dot_general3A_170 {dimension_numbers = #tpu.dot_dimension_numbers<[1], [0], [0], [1], [0, 0, 1, 1], [], []>, transpose_lhs_hint = false} : vector<64x1000xf32>, vector<1000x256xf32>, vector<64x256xf32> -> vector<64x256xf32>
    %add3A_172 = arith.addf %add3A_157, %dot_general3A_171 : vector<64x256xf32>
    %get3A_173 = arith.constant 5 : index
    %get3A_174 = arith.constant 0 : index
    %get3A_175 = arith.constant 0 : index
    %get3A_176 = vector.load %arg12[%get3A_173, %get3A_174, %get3A_175] : memref<10x1x1000xi32, #tpu.memory_space<vmem>>, vector<1x1x1000xi32>
    %get3A_177 = vector.shape_cast %get3A_176 : vector<1x1x1000xi32> to vector<1000xi32>
    %iota3A_178 = tpu.iota {dimensions = array<i32: 0>} : vector<64x1000xi32>
    %broadcast_in_dim3A_179 = vector.shape_cast %get3A_177 : vector<1000xi32> to vector<1x1000xi32>
    %eq3A_180 = vector.broadcast %broadcast_in_dim3A_179 : vector<1x1000xi32> to vector<64x1000xi32>
    %eq3A_181 = arith.cmpi eq, %iota3A_178, %eq3A_180 : vector<64x1000xi32>
    %convert_element_type3A_182 = arith.extui %eq3A_181 : vector<64x1000xi1> to vector<64x1000xi32>
    %convert_element_type3A_183 = arith.sitofp %convert_element_type3A_182 : vector<64x1000xi32> to vector<64x1000xf32>
    %slice3A_184 = vector.extract_strided_slice %max3A_99 {offsets = [5000, 0], sizes = [1000, 256], strides = [1, 1]} : vector<10000x256xf32> to vector<1000x256xf32>
    %dot_general3A_185 = arith.constant dense<0.000000e+00> : vector<64x256xf32>
    %dot_general3A_186 = tpu.matmul %convert_element_type3A_183, %slice3A_184, %dot_general3A_185 {dimension_numbers = #tpu.dot_dimension_numbers<[1], [0], [0], [1], [0, 0, 1, 1], [], []>, transpose_lhs_hint = false} : vector<64x1000xf32>, vector<1000x256xf32>, vector<64x256xf32> -> vector<64x256xf32>
    %add3A_187 = arith.addf %add3A_172, %dot_general3A_186 : vector<64x256xf32>
    %get3A_188 = arith.constant 6 : index
    %get3A_189 = arith.constant 0 : index
    %get3A_190 = arith.constant 0 : index
    %get3A_191 = vector.load %arg12[%get3A_188, %get3A_189, %get3A_190] : memref<10x1x1000xi32, #tpu.memory_space<vmem>>, vector<1x1x1000xi32>
    %get3A_192 = vector.shape_cast %get3A_191 : vector<1x1x1000xi32> to vector<1000xi32>
    %iota3A_193 = tpu.iota {dimensions = array<i32: 0>} : vector<64x1000xi32>
    %broadcast_in_dim3A_194 = vector.shape_cast %get3A_192 : vector<1000xi32> to vector<1x1000xi32>
    %eq3A_195 = vector.broadcast %broadcast_in_dim3A_194 : vector<1x1000xi32> to vector<64x1000xi32>
    %eq3A_196 = arith.cmpi eq, %iota3A_193, %eq3A_195 : vector<64x1000xi32>
    %convert_element_type3A_197 = arith.extui %eq3A_196 : vector<64x1000xi1> to vector<64x1000xi32>
    %convert_element_type3A_198 = arith.sitofp %convert_element_type3A_197 : vector<64x1000xi32> to vector<64x1000xf32>
    %slice3A_199 = vector.extract_strided_slice %max3A_99 {offsets = [6000, 0], sizes = [1000, 256], strides = [1, 1]} : vector<10000x256xf32> to vector<1000x256xf32>
    %dot_general3A_200 = arith.constant dense<0.000000e+00> : vector<64x256xf32>
    %dot_general3A_201 = tpu.matmul %convert_element_type3A_198, %slice3A_199, %dot_general3A_200 {dimension_numbers = #tpu.dot_dimension_numbers<[1], [0], [0], [1], [0, 0, 1, 1], [], []>, transpose_lhs_hint = false} : vector<64x1000xf32>, vector<1000x256xf32>, vector<64x256xf32> -> vector<64x256xf32>
    %add3A_202 = arith.addf %add3A_187, %dot_general3A_201 : vector<64x256xf32>
    %get3A_203 = arith.constant 7 : index
    %get3A_204 = arith.constant 0 : index
    %get3A_205 = arith.constant 0 : index
    %get3A_206 = vector.load %arg12[%get3A_203, %get3A_204, %get3A_205] : memref<10x1x1000xi32, #tpu.memory_space<vmem>>, vector<1x1x1000xi32>
    %get3A_207 = vector.shape_cast %get3A_206 : vector<1x1x1000xi32> to vector<1000xi32>
    %iota3A_208 = tpu.iota {dimensions = array<i32: 0>} : vector<64x1000xi32>
    %broadcast_in_dim3A_209 = vector.shape_cast %get3A_207 : vector<1000xi32> to vector<1x1000xi32>
    %eq3A_210 = vector.broadcast %broadcast_in_dim3A_209 : vector<1x1000xi32> to vector<64x1000xi32>
    %eq3A_211 = arith.cmpi eq, %iota3A_208, %eq3A_210 : vector<64x1000xi32>
    %convert_element_type3A_212 = arith.extui %eq3A_211 : vector<64x1000xi1> to vector<64x1000xi32>
    %convert_element_type3A_213 = arith.sitofp %convert_element_type3A_212 : vector<64x1000xi32> to vector<64x1000xf32>
    %slice3A_214 = vector.extract_strided_slice %max3A_99 {offsets = [7000, 0], sizes = [1000, 256], strides = [1, 1]} : vector<10000x256xf32> to vector<1000x256xf32>
    %dot_general3A_215 = arith.constant dense<0.000000e+00> : vector<64x256xf32>
    %dot_general3A_216 = tpu.matmul %convert_element_type3A_213, %slice3A_214, %dot_general3A_215 {dimension_numbers = #tpu.dot_dimension_numbers<[1], [0], [0], [1], [0, 0, 1, 1], [], []>, transpose_lhs_hint = false} : vector<64x1000xf32>, vector<1000x256xf32>, vector<64x256xf32> -> vector<64x256xf32>
    %add3A_217 = arith.addf %add3A_202, %dot_general3A_216 : vector<64x256xf32>
    %get3A_218 = arith.constant 8 : index
    %get3A_219 = arith.constant 0 : index
    %get3A_220 = arith.constant 0 : index
    %get3A_221 = vector.load %arg12[%get3A_218, %get3A_219, %get3A_220] : memref<10x1x1000xi32, #tpu.memory_space<vmem>>, vector<1x1x1000xi32>
    %get3A_222 = vector.shape_cast %get3A_221 : vector<1x1x1000xi32> to vector<1000xi32>
    %iota3A_223 = tpu.iota {dimensions = array<i32: 0>} : vector<64x1000xi32>
    %broadcast_in_dim3A_224 = vector.shape_cast %get3A_222 : vector<1000xi32> to vector<1x1000xi32>
    %eq3A_225 = vector.broadcast %broadcast_in_dim3A_224 : vector<1x1000xi32> to vector<64x1000xi32>
    %eq3A_226 = arith.cmpi eq, %iota3A_223, %eq3A_225 : vector<64x1000xi32>
    %convert_element_type3A_227 = arith.extui %eq3A_226 : vector<64x1000xi1> to vector<64x1000xi32>
    %convert_element_type3A_228 = arith.sitofp %convert_element_type3A_227 : vector<64x1000xi32> to vector<64x1000xf32>
    %slice3A_229 = vector.extract_strided_slice %max3A_99 {offsets = [8000, 0], sizes = [1000, 256], strides = [1, 1]} : vector<10000x256xf32> to vector<1000x256xf32>
    %dot_general3A_230 = arith.constant dense<0.000000e+00> : vector<64x256xf32>
    %dot_general3A_231 = tpu.matmul %convert_element_type3A_228, %slice3A_229, %dot_general3A_230 {dimension_numbers = #tpu.dot_dimension_numbers<[1], [0], [0], [1], [0, 0, 1, 1], [], []>, transpose_lhs_hint = false} : vector<64x1000xf32>, vector<1000x256xf32>, vector<64x256xf32> -> vector<64x256xf32>
    %add3A_232 = arith.addf %add3A_217, %dot_general3A_231 : vector<64x256xf32>
    %get3A_233 = arith.constant 9 : index
    %get3A_234 = arith.constant 0 : index
    %get3A_235 = arith.constant 0 : index
    %get3A_236 = vector.load %arg12[%get3A_233, %get3A_234, %get3A_235] : memref<10x1x1000xi32, #tpu.memory_space<vmem>>, vector<1x1x1000xi32>
    %get3A_237 = vector.shape_cast %get3A_236 : vector<1x1x1000xi32> to vector<1000xi32>
    %iota3A_238 = tpu.iota {dimensions = array<i32: 0>} : vector<64x1000xi32>
    %broadcast_in_dim3A_239 = vector.shape_cast %get3A_237 : vector<1000xi32> to vector<1x1000xi32>
    %eq3A_240 = vector.broadcast %broadcast_in_dim3A_239 : vector<1x1000xi32> to vector<64x1000xi32>
    %eq3A_241 = arith.cmpi eq, %iota3A_238, %eq3A_240 : vector<64x1000xi32>
    %convert_element_type3A_242 = arith.extui %eq3A_241 : vector<64x1000xi1> to vector<64x1000xi32>
    %convert_element_type3A_243 = arith.sitofp %convert_element_type3A_242 : vector<64x1000xi32> to vector<64x1000xf32>
    %slice3A_244 = vector.extract_strided_slice %max3A_99 {offsets = [9000, 0], sizes = [1000, 256], strides = [1, 1]} : vector<10000x256xf32> to vector<1000x256xf32>
    %dot_general3A_245 = arith.constant dense<0.000000e+00> : vector<64x256xf32>
    %dot_general3A_246 = tpu.matmul %convert_element_type3A_243, %slice3A_244, %dot_general3A_245 {dimension_numbers = #tpu.dot_dimension_numbers<[1], [0], [0], [1], [0, 0, 1, 1], [], []>, transpose_lhs_hint = false} : vector<64x1000xf32>, vector<1000x256xf32>, vector<64x256xf32> -> vector<64x256xf32>
    %add3A_247 = arith.addf %add3A_232, %dot_general3A_246 : vector<64x256xf32>
    %get3A_248 = arith.constant 0 : index
    %get3A_249 = arith.constant 0 : index
    %get3A_250 = vector.load %arg13[%get3A_248, %get3A_249] : memref<64x256xf32, #tpu.memory_space<vmem>>, vector<64x256xf32>
    %get3A_251 = arith.constant 0 : index
    %get3A_252 = arith.constant 0 : index
    %get3A_253 = vector.load %arg15[%get3A_251, %get3A_252] : memref<256x10xf32, #tpu.memory_space<vmem>>, vector<256x10xf32>
    %dot_general3A_254 = arith.constant dense<0.000000e+00> : vector<64x10xf32>
    %dot_general3A_255 = tpu.matmul %get3A_250, %get3A_253, %dot_general3A_254 {dimension_numbers = #tpu.dot_dimension_numbers<[1], [0], [0], [1], [0, 0, 1, 1], [], []>, precision = #tpu.contract_precision<fp32>, transpose_lhs_hint = false} : vector<64x256xf32>, vector<256x10xf32>, vector<64x10xf32> -> vector<64x10xf32>
    %get3A_256 = arith.constant 0 : index
    %get3A_257 = arith.constant 0 : index
    %get3A_258 = vector.load %arg14[%get3A_256, %get3A_257] : memref<64x128xf32, #tpu.memory_space<vmem>>, vector<64x1xf32>
    %get3A_259 = arith.constant 0 : index
    %get3A_260 = arith.constant 0 : index
    %get3A_261 = vector.load %arg16[%get3A_259, %get3A_260] : memref<1x10xf32, #tpu.memory_space<vmem>>, vector<1x10xf32>
    %mul3A_262 = vector.broadcast %get3A_258 : vector<64x1xf32> to vector<64x10xf32>
    %mul3A_263 = vector.broadcast %get3A_261 : vector<1x10xf32> to vector<64x10xf32>
    %mul3A_264 = arith.mulf %mul3A_262, %mul3A_263 : vector<64x10xf32>
    %add3A_265 = arith.addf %dot_general3A_255, %mul3A_264 : vector<64x10xf32>
    %get3A_266 = arith.constant 0 : index
    %get3A_267 = arith.constant 0 : index
    %get3A_268 = vector.load %arg17[%get3A_266, %get3A_267] : memref<256x10xf32, #tpu.memory_space<vmem>>, vector<256x10xf32>
    %dot_general3A_269 = arith.constant dense<0.000000e+00> : vector<64x10xf32>
    %dot_general3A_270 = tpu.matmul %add3A_247, %get3A_268, %dot_general3A_269 {dimension_numbers = #tpu.dot_dimension_numbers<[1], [0], [0], [1], [0, 0, 1, 1], [], []>, precision = #tpu.contract_precision<fp32>, transpose_lhs_hint = false} : vector<64x256xf32>, vector<256x10xf32>, vector<64x10xf32> -> vector<64x10xf32>
    %get3A_271 = arith.constant 0 : index
    %get3A_272 = arith.constant 0 : index
    %get3A_273 = vector.load %arg18[%get3A_271, %get3A_272] : memref<1x10xf32, #tpu.memory_space<vmem>>, vector<1x10xf32>
    %add3A_274 = vector.broadcast %get3A_273 : vector<1x10xf32> to vector<64x10xf32>
    %add3A_275 = arith.addf %dot_general3A_270, %add3A_274 : vector<64x10xf32>
    %add3A_276 = arith.addf %add3A_265, %add3A_275 : vector<64x10xf32>
    %reduce_max3A = arith.constant dense<0xFF800000> : vector<64xf32>
    %reduce_max3A_277 = vector.multi_reduction <maximumf>, %add3A_276, %reduce_max3A [1] : vector<64x10xf32> to vector<64xf32>
    %broadcast_in_dim3A_278 = vector.shape_cast %reduce_max3A_277 : vector<64xf32> to vector<64x1xf32>
    %sub3A_279 = vector.broadcast %broadcast_in_dim3A_278 : vector<64x1xf32> to vector<64x10xf32>
    %sub3A_280 = arith.subf %add3A_276, %sub3A_279 : vector<64x10xf32>
    %exp3A = math.exp %sub3A_280 : vector<64x10xf32>
    %reduce_sum3A_281 = arith.constant dense<0.000000e+00> : vector<64xf32>
    %reduce_sum3A_282 = vector.multi_reduction <add>, %exp3A, %reduce_sum3A_281 [1] : vector<64x10xf32> to vector<64xf32>
    %broadcast_in_dim3A_283 = vector.shape_cast %reduce_sum3A_282 : vector<64xf32> to vector<64x1xf32>
    %log3A = math.log %broadcast_in_dim3A_283 : vector<64x1xf32>
    %sub3A_284 = vector.broadcast %log3A : vector<64x1xf32> to vector<64x10xf32>
    %sub3A_285 = arith.subf %sub3A_280, %sub3A_284 : vector<64x10xf32>
    %swap3A = arith.constant 0 : index
    %swap3A_286 = arith.constant 0 : index
    %swap3A_287 = vector.load %arg19[%swap3A, %swap3A_286] : memref<64x10xf32, #tpu.memory_space<vmem>>, vector<64x10xf32>
    tpu.vector_store %arg19[%swap3A, %swap3A_286], %sub3A_285 {strides = array<i32>} : memref<64x10xf32, #tpu.memory_space<vmem>>, vector<64x10xf32>,
    return
  }
}

</mosaic_0001>

<sc_bundles>
// kernel: kernel.7.cloned.1.call-start
scs
__scs_entry_jumppad:
0x0: {  	(pc) =	sbr.rel $0x88, $3  }
0x1: {  	(tag) =	ssettag $0x0;
	lr =	simm.s32 $0x1  }
0x2: {  	[smem:$0x3F86] =	sst lr;
	_ =	strace $0xD0000000  }
0x3: {  	_ = 	snop  }
0x4: {  	_ = 	snop  }
0x5: {  	_ = 	snop  }
0x6: {  	_ = 	snop  }
0x7: {  	_ = 	snop  }
__scs_overlays_trampoline_lowered:
0x8: {  	[smem:$0x3F95] =	sst s0  }
0x9: {  	[smem:$0x3F96] =	sst s1  }
0xa: {  	[smem:$0x3F97] =	sst s2  }
0xb: {  	[smem:$0x3F98] =	sst s3  }
0xc: {  	[smem:$0x3F99] =	sst s4  }
0xd: {  	[smem:$0x3F9A] =	sst s5  }
0xe: {  	[smem:$0x3F9B] =	sst s6  }
0xf: {  	[smem:$0x3F9C] =	sst s7  }
0x10: {  	[smem:$0x3F9D] =	sst s8  }
0x11: {  	[smem:$0x3F9E] =	sst s9;
	s0 =	simm.s32 @!p0 $0x0  }
0x12: {  	s1 =	sld [smem:$0x3F84];
	s0 =	simm.s32 @p0 $0x1  }
0x13: {  	[smem:$0x3F9F] =	sst s0;
	s0 =	simm.s32 @!p1 $0x0  }
0x14: {  	s2 =	sld [smem:$0x3F83];
	s0 =	simm.s32 @p1 $0x1  }
0x15: {  	[smem:$0x3FA0] =	sst s0;
	s0 =	simm.s32 @!p2 $0x0  }
0x16: {  	s3 =	sld [smem:$0x3FDB];
	s0 =	simm.s32 @p2 $0x1  }
0x17: {  	s4 =	simm.s32 $0x1BF5;
	[smem:$0x3FA2] =	sst s0  }
0x18: {  	s0 =	sld [smem:$0x3F85];
	_ =	swait.ge [sflag:s4], $0x0  }
0x19: {  	s7 =	sld [smem:$0x3F86]  }
0x1a: {  	s8 =	sadd.s32 $0xFFFFE003, lr  }
0x1b: {  	s9 =	sadd.s32 $0xFFFFFEF7, lr;
	s5 =	simm.s32 $0xFFFFFFFF;
	p2 =	slt.u32 s8, $0xFFFFF086  }
0x1c: {  	p1 =	slt.u32 s9, $0xF7A;
	s5 =	simm.s32 @!p2 $0x0  }
0x1d: {  	s5 =	simm.s32 @p1 $0x1;
	p0 =	seq.s32 s7, s2  }
0x1e: {  	s7 =	smul.u32 @!p0 $0xF7A, s2;
	p2 =	seq.s32 @!p0 s5, $0x0  }
0x1f: {  	s9 =	smul.u32 $0xF7A, s1;
	s8 =	simm.s32 @!p0 $0x1BF5;
	p2 =	por !p2, p0  }
0x20: {  	[sflag:s8] =	ssyncset.s32 @!p0 $0xFFFFF086;
	s6 =	sadd.s32 @!p0 s3, s7;
	s7 =	simm.s32 @!p0 $0x108  }
0x21: {  	s3 =	sadd.s32 s3, s9;
	s6 =	sadd.s32 @!p0 $0x88, s6;
	s7 =	simm.s32 @p2 $0x1082  }
0x22: {  	[simem:s7], [sflag:s8] =	dma.local @!p0 [hbm:s6], $0xF7A  }
0x23: {  	s9 =	sor.u32 $0xD0000000, s2;
	s6 =	simm.s32 $0x108;
	_ =	swait.ge @!p0 [sflag:s8], $0x0  }
0x24: {  	s3 =	sadd.s32 $0x88, s3;
	s6 =	simm.s32 @!p1 $0x1082;
	[sflag:s4] =	ssyncset.s32 $0xFFFFF086  }
0x25: {  	[simem:s6], [sflag:s4] =	dma.local [hbm:s3], $0xF7A  }
0x26: {  	[smem:$0x3F86] =	sst s1;
	(tag) =	ssettag s2;
	_ =	strace s9  }
0x27: {  	s1 =	sld [smem:$0x3F96]  }
0x28: {  	s2 =	sld [smem:$0x3F97]  }
0x29: {  	s4 =	sld [smem:$0x3F99]  }
0x2a: {  	p0 =	seq.s32 s5, $0x0;
	s5 =	sld [smem:$0x3F9A]  }
0x2b: {  	s6 =	sld [smem:$0x3F9B]  }
0x2c: {  	s7 =	sld [smem:$0x3F9C]  }
0x2d: {  	s3 =	simm.s32 $0x108;
	s8 =	sld [smem:$0x3F9D]  }
0x2e: {  	s3 =	simm.s32 @!p0 $0x1082;
	s9 =	sld [smem:$0x3F9E]  }
0x2f: {  	lr =	sadd.s32 s0, s3;
	s0 =	sld [smem:$0x3F95]  }
0x30: {  	s3 =	sld [smem:$0x3F98]  }
0x31: {  	[smem:$0x3FA1] =	sst s10  }
0x32: {  	s10 =	sld [smem:$0x3F9F];
	_ =	sdelay $0x3  }
0x33: {  	p0 =	seq.s32 s10, $0x1;
	s10 =	sld [smem:$0x3FA1];
	_ =	sdelay $0x3  }
0x34: {  	[smem:$0x3FA1] =	sst s10  }
0x35: {  	s10 =	sld [smem:$0x3FA0];
	_ =	sdelay $0x3  }
0x36: {  	p1 =	seq.s32 s10, $0x1;
	s10 =	sld [smem:$0x3FA1];
	_ =	sdelay $0x3  }
0x37: {  	[smem:$0x3FA1] =	sst s10  }
0x38: {  	s10 =	sld [smem:$0x3FA2]  }
0x39: {  	_ = 	snop;
	(pc) =	sbr.ind lr, $3  }
0x3a: {  	_ = 	snop  }
0x3b: {  	_ = 	snop  }
0x3c: {  	p2 =	seq.s32 s10, $0x1;
	s10 =	sld [smem:$0x3FA1]  }
0x3d: {  	_ =	shalt  }
0x3e: {  	_ =	shalt  }
0x3f: {  	_ =	shalt  }
0x40: {  	_ =	shalt  }
0x41: {  	_ =	shalt  }
0x42: {  	_ =	shalt  }
0x43: {  	_ =	shalt  }
0x44: {  	_ =	shalt  }
0x45: {  	_ =	shalt  }
0x46: {  	_ =	shalt  }
0x47: {  	_ =	shalt  }
0x48: {  	_ =	shalt  }
0x49: {  	_ =	shalt  }
0x4a: {  	_ =	shalt  }
0x4b: {  	_ =	shalt  }
0x4c: {  	_ =	shalt  }
0x4d: {  	_ =	shalt  }
0x4e: {  	_ =	shalt  }
0x4f: {  	_ =	shalt  }
0x50: {  	_ =	shalt  }
0x51: {  	_ =	shalt  }
0x52: {  	_ =	shalt  }
0x53: {  	_ =	shalt  }
0x54: {  	_ =	shalt  }
0x55: {  	_ =	shalt  }
0x56: {  	_ =	shalt  }
0x57: {  	_ =	shalt  }
0x58: {  	_ =	shalt  }
0x59: {  	_ =	shalt  }
0x5a: {  	_ =	shalt  }
0x5b: {  	_ =	shalt  }
0x5c: {  	_ =	shalt  }
0x5d: {  	_ =	shalt  }
0x5e: {  	_ =	shalt  }
0x5f: {  	_ =	shalt  }
0x60: {  	_ =	shalt  }
0x61: {  	_ =	shalt  }
0x62: {  	_ =	shalt  }
0x63: {  	_ =	shalt  }
0x64: {  	_ =	shalt  }
0x65: {  	_ =	shalt  }
0x66: {  	_ =	shalt  }
0x67: {  	_ =	shalt  }
0x68: {  	_ =	shalt  }
0x69: {  	_ =	shalt  }
0x6a: {  	_ =	shalt  }
0x6b: {  	_ =	shalt  }
0x6c: {  	_ =	shalt  }
0x6d: {  	_ =	shalt  }
0x6e: {  	_ =	shalt  }
0x6f: {  	_ =	shalt  }
0x70: {  	_ =	shalt  }
0x71: {  	_ =	shalt  }
0x72: {  	_ =	shalt  }
0x73: {  	_ =	shalt  }
0x74: {  	_ =	shalt  }
0x75: {  	_ =	shalt  }
0x76: {  	_ =	shalt  }
0x77: {  	_ =	shalt  }
0x78: {  	_ =	shalt  }
0x79: {  	_ =	shalt  }
0x7a: {  	_ =	shalt  }
0x7b: {  	_ =	shalt  }
0x7c: {  	_ =	shalt  }
0x7d: {  	_ =	shalt  }
0x7e: {  	_ =	shalt  }
0x7f: {  	_ =	shalt  }
0x80: {  	_ =	shalt  }
0x81: {  	_ =	shalt  }
0x82: {  	_ =	shalt  }
0x83: {  	_ =	shalt  }
0x84: {  	_ =	shalt  }
0x85: {  	_ =	shalt  }
0x86: {  	_ =	shalt  }
0x87: {  	_ =	shalt  }
.Lfunc_end0:
.L_simem_size_0:
called_computation_lowered:
.L_overlay_start_0:
0x88: {  	s2 =	sld [smem:$0x3FD9]  }
0x89: {  	s3 =	sld [smem:$0x3FFE];
	_ =	sdelay $0x1  }
0x8a: {  	s1 =	srdreg.scid  }
0x8b: {  	s0 =	sand.u32 $0x1, s1  }
0x8c: {  	s16 =	sshll.u32 s0, $0xA;
	s2 =	sadd.s32 s3, s2  }
0x8d: {  	s2 =	sadd.s32 s2, s16  }
0x8e: {  	[smem:$0x3FAD] =	sst s2  }
0x8f: {  	_ = 	snop  }
0x90: {  	(tm) =	ssettm $0x1  }
0x91: {  	s17 =	sld [smem:$0x3FFB];
	_ =	sdelay $0x3  }
0x92: {  	_ =	strace s17  }
0x93: {  	s2 =	sld [smem:$0x3FFC];
	_ =	sdelay $0x3  }
0x94: {  	_ =	strace s2  }
0x95: {  	s2 =	sld [smem:$0x3FFD];
	_ =	sdelay $0x3  }
0x96: {  	_ =	strace s2  }
0x97: {  	_ =	strace $0x8FFFFFFF  }
0x98: {  	s18 =	sld [smem:$0x3FDB];
	_ =	sdelay $0x1  }
0x99: {  	s19 =	simm.s32 $_scs_section_size  }
0x9a: {  	s4 =	simm.s32 $_size__tile_overlayer_lowered;
	s5 =	simm.s32 $_tile_overlayer_lowered  }
0x9b: {  	s22 =	simm.s32 $0x1BFF;
	s21 =	sshll.u32 s5, $0x1;
	s2 =	sadd.s32 s19, s18  }
0x9c: {  	s6 =	simm.s32 $0x0;
	s20 =	sshll.u32 s4, $0x1;
	s4 =	sadd.s32 s21, s2  }
0x9d: {  	[timem:s6], [sflag:s22] =	dma.local [hbm:s4], s20  }
0x9e: {  	_ =	swait.ge [sflag:s22], s20  }
0x9f: {  	s3 =	ssub.s32 $0x0, s20;
	[sflag:s22] =	ssyncset.done $0x0  }
0xa0: {  	[sflag:s22] =	ssyncadd.s32 s3;
	_ =	sdelay $0x1  }
0xa1: {  	s23 =	simm.s32 $0x1B8B  }
0xa2: {  	_ =	swait.ge [sflag:s23], $0x1  }
0xa3: {  	[sflag:s23] =	ssyncset.done $0x0  }
0xa4: {  	s25 =	simm.s32 $0x1B8E;
	s24 =	sld [smem:$0x3FFE];
	[sflag:s23] =	ssyncadd.s32 $0xFFFFFFFF  }
0xa5: {  	s26 =	simm.s32 $execute0_lowered;
	[smem:$0x3FD2] =	sst s25  }
0xa6: {  	s4 =	sshll.u32 s26, $0x1;
	_ =	strace $0x80000046;
	[dreg:$0x1] =	wrdreg $0xFFFFFFFF  }
0xa7: {  	s28 =	simm.s32 $_size_execute0_lowered;
	s2 =	sadd.s32 s2, s4;
	[dreg:$0x0] =	wrdreg $0x0  }
0xa8: {  	s4 =	sshll.u32 s28, $0x1;
	[dreg:$0x2] =	wrdreg s2  }
0xa9: {  	[dreg:$0x3] =	wrdreg s4  }
0xaa: {  	[dreg:$0x4] =	wrdreg $0xC0  }
0xab: {  	_ =	task [dreg:s6], $0x5FFFF  }
0xac: {  	[dreg:$0x1] =	wrdreg $0xFFFFFFFF  }
0xad: {  	[dreg:$0x0] =	wrdreg $0x60  }
0xae: {  	[dreg:$0x2] =	wrdreg s24  }
0xaf: {  	[dreg:$0x3] =	wrdreg $0xA4000  }
0xb0: {  	[dreg:$0x4] =	wrdreg $0x9  }
0xb1: {  	_ =	task.clear_ibuf [dreg:s6], $0x5FFFF;
	_ =	strace $0x90000046  }
0xb2: {  	s29 =	simm.s32 $0x9;
	_ =	strace $0x80000048  }
0xb3: {  	_ =	swait.ge [sflag:s29], $0x1  }
0xb4: {  	[sflag:s29] =	ssyncadd.s32 $0xFFFFFFFF  }
0xb5: {  	_ =	strace $0x90000048  }
0xb6: {  	_ =	sfence  }
0xb7: {  	s30 =	sld [smem:$0x0];
	_ =	sdelay $0x2  }
0xb8: {  	s31 =	sshll.u32 s1, $0xD;
	s1 =	sshrl.u32 s1, $0x2  }
0xb9: {  	s3 =	sand.u32 $0x4000, s31;
	s1 =	sadd.s32 s1, s30  }
0xba: {  	s0 =	sor.u32 s3, s0;
	s1 =	sshll.u32 s1, $0x11  }
0xbb: {  	s0 =	sor.u32 s1, s0  }
0xbc: {  	s0 =	sadd.s32 $0x8F2B, s0  }
0xbd: {  	[sflag:s0] =	ssyncadd.remote.s32 $0x1  }
0xbe: {  	_ =	sfence.sel $0xFFFF  }
0xbf: {  	[dreg:$0x0] =	wrdreg $0xFFFFFFFF;
	(pc) =	sbr.abs _section_cstart, $3  }
0xc0: {  	[dreg:$0x1] =	wrdreg $0xFFFFFFFF  }
0xc1: {  	_ =	task.clear_ibuf [dreg:s6], $0x2FFFF;
	_ =	strace $0x9FFFFFFF  }
0xc2: {  	(tm) =	ssettm $0x7FFFFFFF  }
0xc3: {  	_ =	shalt  }
tec
execute0_lowered:
.L_overlay_start_1:
0x0: {  	(tag) =	ssettag $0x1  }
0x1: {  	s0 =	rddreg [dreg:$0x0]  }
0x2: {  	s2 =	rddreg [dreg:$0x1];
	s3 =	simm.s32 $0x0;
	s1 =	srdreg.scid  }
0x3: {  	s12 =	stileid.u32;
	s30 =	simm.s32 $0xA100;
	s31 =	simm.s32 $0xA300  }
0x4: {  	[smem:$0x7FF] =	sst s3;
	s1 =	sand.u32 $0x1, s1;
	s6 =	smul.u32 $0x2800, s12  }
0x5: {  	s4 =	sadd.s32 $0x62E00, s0;
	s5 =	sadd.s32 $0xA200, s0;
	s8 =	smul.u32 $0x50000, s12  }
0x6: {  	s9 =	sadd.s32 $0x5200, s0;
	s10 =	sadd.s32 $0x544E00, s0;
	s29 =	smul.u32 $0x2710, s12  }
0x7: {  	s15 =	sshll.u32 s12, $0x6;
	s23 =	smul.u32 $0x4E2, s12;
	s12 =	simm.s32 $0x2800  }
0x8: {  	_ =	strace $0x80000047;
	s7 =	smul.u32 $0x28000, s1;
	[dreg:$0x3] =	wrdreg s10  }
0x9: {  	s28 =	smul.u32 $0x27100, s1;
	s1 =	ssub.s32 $0x2, s1;
	s22 =	sor.u32 $0x1C09, s15  }
0xa: {  	s15 =	simm.s32 $0x5000;
	s11 =	sshrl.u32 s1, $0x1;
	s8 =	sshrl.u32 s8, $0x2  }
0xb: {  	[dreg:$0x4] =	wrdreg s22;
	s6 =	sadd.s32 s6, s7;
	s1 =	ssub.s32 s1, s11  }
0xc: {  	s13 =	sadd.s32 s8, s2;
	s14 =	sadd.s32 s29, s28;
	s7 =	sshrl.u32 s29, $0x3  }
0xd: {  	s8 =	simm.s32 $0x7800;
	s0 =	sadd.s32 s6, s0;
	s11 =	sshrl.u32 s14, $0x3  }
0xe: {  	s7 =	sadd.s32 s9, s7;
	s20 =	smax.u32 s1, $0x1;
	s21 =	sadd.s32 $0x190, s14  }
0xf: {  	s24 =	sadd.s32 $0x1E0, s14;
	s26 =	sadd.s32 $0x230, s14;
	s29 =	sadd.s32 $0x140, s14  }
0x10: {  	s1 =	simm.s32 $0xA380;
	s6 =	simm.s32 $0x5;
	[dreg:$0x6] =	wrdreg s7  }
0x11: {  	s14 =	simm.s32 $0x7;
	s16 =	sadd.s32 s5, s11;
	[dreg:$0xe] =	wrdreg s20  }
0x12: {  	s17 =	sadd.s32 $0xA, s7;
	s19 =	sadd.s32 $0x14, s7;
	[dreg:$0xf] =	wrdreg s29  }
0x13: {  	s7 =	sadd.s32 $0x1E, s7;
	s0 =	sadd.s32 $0x547600, s0;
	[dreg:$0x8] =	wrdreg s17  }
0x14: {  	s25 =	sshrl.u32 s24, $0x3;
	s28 =	sshrl.u32 s26, $0x3;
	[dreg:$0xa] =	wrdreg s19  }
0x15: {  	s24 =	simm.s32 $0x9;
	s26 =	simm.s32 $0xA200;
	[dreg:$0x5] =	wrdreg s16  }
0x16: {  	s11 =	sadd.s32 $0xA, s16;
	s18 =	sadd.s32 $0x14, s16;
	[dreg:$0xc] =	wrdreg s7  }
0x17: {  	s10 =	sadd.s32 $0x1E, s16;
	[dreg:$0xd] =	wrdreg s0;
	s0 =	sshrl.u32 s21, $0x3  }
0x18: {  	s19 =	sadd.s32 s23, s9;
	s20 =	sadd.s32 s25, s5;
	s21 =	sadd.s32 s28, s5  }
.Ltmp0:
0x19: {  	s25 =	simm.s32 $0xA000;
	[dreg:$0x7] =	wrdreg s11;
	(pc) =	sbr.rel .LBB2_1-.Ltmp0, $4  }
0x1a: {  	s16 =	simm.s32 $0x2;
	s17 =	simm.s32 $0x8;
	[dreg:$0x9] =	wrdreg s18  }
0x1b: {  	s9 =	simm.s32 $0x3;
	s23 =	simm.s32 $0x0;
	[dreg:$0xb] =	wrdreg s10  }
0x1c: {  	s18 =	sadd.s32 s0, s5;
	s11 =	sshrl.u32 s13, $0x3;
	s0 =	simm.s32 $0xA180  }
0x1d: {  	s10 =	simm.s32 $0x50;
	s13 =	simm.s32 $0x1;
	[dreg:$0x10] =	wrdreg s11  }
.LBB2_4:
0x1e: {  	_ =	swait.ge [sflag:s13], $0x2800  }
0x1f: {  	[sflag:s13] =	ssyncset.done $0x0  }
0x20: {  	[sflag:s13] =	ssyncadd.s32 $0xFFFFD800  }
0x21: {  	[spmem:s2] =	stream.indirect.scatter.add.f32 [tilespmem:s3], [sflag:$0x9], $0x80, s26, s10, $0xb8;
	[tilespmem:$0x1E400] =	vst v63  }
0x22: {  	_ =	swait.ge [sflag:s24], $0x2800  }
0x23: {  	[sflag:s24] =	ssyncset.done $0x0  }
0x24: {  	[sflag:s24] =	ssyncadd.s32 $0xFFFFD800  }
0x25: {  	[bflag:$0x0] =	sbarrier.arrive $0xFFFF  }
0x26: {  	s22 =	rddreg [dreg:$0x4]  }
0x27: {  	s7 =	rddreg [dreg:$0xd]  }
0x28: {  	s11 =	rddreg [dreg:$0x10]  }
0x29: {  	[hbm:s7], [sflag:s22] =	dma.local [spmem:s11], $0x2800  }
0x2a: {  	_ =	swait.ge [sflag:s24], $0x2800  }
0x2b: {  	s23 =	rddreg [dreg:$0x11]  }
0x2c: {  	s29 =	rddreg [dreg:$0xe];
	s23 =	sadd.s32 $0x1, s23  }
0x2d: {  	p0 =	sne.s32 s23, s29  }
.Ltmp1:
0x2e: {  	_ = 	snop;
	(pc) =	sbr.rel @!p0 .LBB2_5-.Ltmp1, $3  }
0x2f: {  	_ =	sdelay $0x1  }
0x30: {  	[sflag:s24] =	ssyncset.done $0x0  }
0x31: {  	[sflag:s24] =	ssyncadd.s32 $0xFFFFD800  }
.LBB2_1:
0x32: {  	[dreg:$0x11] =	wrdreg s23  }
0x33: {  	s7 =	rddreg [dreg:$0x3]  }
0x34: {  	[spmem:s11], [sflag:s22] =	dma.local [hbm:s7], $0x2800  }
0x35: {  	_ =	swait.ge [sflag:s24], $0x2800  }
0x36: {  	[sflag:s24] =	ssyncset.done $0x0  }
0x37: {  	[sflag:s24] =	ssyncadd.s32 $0xFFFFD800  }
0x38: {  	[bflag:$0x0] =	sbarrier.arrive $0xFFFF  }
0x39: {  	s29 =	rddreg [dreg:$0x5]  }
0x3a: {  	[tilespmem:s25], [sflag:$0x5] =	stream.linear.gather [hbm4b:s29+s3], $0x50, $0x38;
	[tilespmem:$0x1E400] =	vst v63  }
0x3b: {  	s11 =	rddreg [dreg:$0x6]  }
0x3c: {  	[tilespmem:s26], [sflag:$0x5] =	stream.linear.gather [hbm4b:s11+s3], $0x50, $0x38;
	[tilespmem:$0x1E400] =	vst v63  }
0x3d: {  	s22 =	rddreg [dreg:$0x7];
	s11 =	simm.s32 $0xA080  }
0x3e: {  	[tilespmem:s11], [sflag:$0x6] =	stream.linear.gather [hbm4b:s22+s3], $0x50, $0x38;
	[tilespmem:$0x1E400] =	vst v63  }
0x3f: {  	s23 =	rddreg [dreg:$0x8];
	s29 =	simm.s32 $0xA280  }
0x40: {  	[tilespmem:s29], [sflag:$0x6] =	stream.linear.gather [hbm4b:s23+s3], $0x50, $0x38;
	[tilespmem:$0x1E400] =	vst v63  }
0x41: {  	s23 =	rddreg [dreg:$0x9]  }
0x42: {  	[tilespmem:s30], [sflag:$0x7] =	stream.linear.gather [hbm4b:s23+s3], $0x50, $0x38;
	[tilespmem:$0x1E400] =	vst v63  }
0x43: {  	s29 =	rddreg [dreg:$0xa]  }
0x44: {  	[tilespmem:s31], [sflag:$0x7] =	stream.linear.gather [hbm4b:s29+s3], $0x50, $0x38;
	[tilespmem:$0x1E400] =	vst v63  }
0x45: {  	s22 =	rddreg [dreg:$0xb]  }
0x46: {  	[tilespmem:s0], [sflag:$0x8] =	stream.linear.gather [hbm4b:s22+s3], $0x50, $0x38;
	[tilespmem:$0x1E400] =	vst v63  }
0x47: {  	s23 =	rddreg [dreg:$0xc]  }
0x48: {  	[tilespmem:s1], [sflag:$0x8] =	stream.linear.gather [hbm4b:s23+s3], $0x50, $0x38;
	[tilespmem:$0x1E400] =	vst v63  }
0x49: {  	_ =	swait.ge [sflag:s6], $0x50  }
0x4a: {  	[sflag:s6] =	ssyncset.done $0x0  }
0x4b: {  	[sflag:s6] =	ssyncadd.s32 $0xFFFFFFB0  }
0x4c: {  	_ =	swait.ge [sflag:s6], $0x50  }
0x4d: {  	[sflag:s6] =	ssyncset.done $0x0  }
0x4e: {  	s29 =	simm.s32 $0x6;
	[sflag:s6] =	ssyncadd.s32 $0xFFFFFFB0  }
0x4f: {  	[tilespmem:s3], [sflag:$0x1] =	stream.indirect.gather [hbm4b:s4+s10], $0x80, s25, s10, $0xb8;
	[tilespmem:$0x1E400] =	vst v63  }
0x50: {  	_ =	swait.ge [sflag:s29], $0x50  }
0x51: {  	[sflag:s29] =	ssyncset.done $0x0  }
0x52: {  	[sflag:s29] =	ssyncadd.s32 $0xFFFFFFB0  }
0x53: {  	_ =	swait.ge [sflag:s29], $0x50  }
0x54: {  	[sflag:s29] =	ssyncset.done $0x0  }
0x55: {  	s7 =	simm.s32 $0x0;
	s28 =	rddreg [dreg:$0xf];
	[sflag:s29] =	ssyncadd.s32 $0xFFFFFFB0  }
0x56: {  	[tilespmem:s12], [sflag:$0x2] =	stream.indirect.gather [hbm4b:s4+s10], $0x80, s11, s10, $0xb8;
	[tilespmem:$0x1E400] =	vst v63  }
.LBB2_2:
0x57: {  	_ =	swait.ge [sflag:s13], $0x2800  }
0x58: {  	[sflag:s13] =	ssyncset.done $0x0  }
0x59: {  	[sflag:s13] =	ssyncadd.s32 $0xFFFFD800  }
0x5a: {  	_ =	swait.ge [sflag:s14], $0x50  }
0x5b: {  	[sflag:s14] =	ssyncset.done $0x0  }
0x5c: {  	[sflag:s14] =	ssyncadd.s32 $0xFFFFFFB0  }
0x5d: {  	_ =	swait.ge [sflag:s14], $0x50  }
0x5e: {  	[sflag:s14] =	ssyncset.done $0x0  }
0x5f: {  	[sflag:s14] =	ssyncadd.s32 $0xFFFFFFB0  }
0x60: {  	[tilespmem:s15], [sflag:$0x3] =	stream.indirect.gather [hbm4b:s4+s10], $0x80, s30, s10, $0xb8;
	[tilespmem:$0x1E400] =	vst v63  }
0x61: {  	_ = 	snop  }
0x62: {  	[spmem:s2] =	stream.indirect.scatter.add.f32 [tilespmem:s3], [sflag:$0x9], $0x80, s26, s10, $0xb8;
	[tilespmem:$0x1E400] =	vst v63  }
0x63: {  	_ =	swait.ge [sflag:s24], $0x2800  }
0x64: {  	s23 =	sshrl.u32 s28, $0x3;
	[sflag:s24] =	ssyncset.done $0x0  }
0x65: {  	s23 =	sadd.s32 s5, s23;
	[sflag:s24] =	ssyncadd.s32 $0xFFFFD800  }
0x66: {  	[tilespmem:s25], [sflag:$0x5] =	stream.linear.gather [hbm4b:s23+s3], $0x50, $0x38;
	[tilespmem:$0x1E400] =	vst v63  }
0x67: {  	s23 =	sadd.s32 s7, s19  }
0x68: {  	s11 =	sadd.s32 $0x28, s23  }
0x69: {  	[tilespmem:s26], [sflag:$0x5] =	stream.linear.gather [hbm4b:s11+s3], $0x50, $0x38;
	[tilespmem:$0x1E400] =	vst v63  }
0x6a: {  	_ =	swait.ge [sflag:s16], $0x2800  }
0x6b: {  	[sflag:s16] =	ssyncset.done $0x0  }
0x6c: {  	[sflag:s16] =	ssyncadd.s32 $0xFFFFD800  }
0x6d: {  	_ =	swait.ge [sflag:s17], $0x50  }
0x6e: {  	[sflag:s17] =	ssyncset.done $0x0  }
0x6f: {  	[sflag:s17] =	ssyncadd.s32 $0xFFFFFFB0  }
0x70: {  	_ =	swait.ge [sflag:s17], $0x50  }
0x71: {  	[sflag:s17] =	ssyncset.done $0x0  }
0x72: {  	[sflag:s17] =	ssyncadd.s32 $0xFFFFFFB0  }
0x73: {  	[tilespmem:s8], [sflag:$0x4] =	stream.indirect.gather [hbm4b:s4+s10], $0x80, s0, s10, $0xb8;
	[tilespmem:$0x1E400] =	vst v63  }
0x74: {  	s29 =	simm.s32 $0xA280  }
0x75: {  	[spmem:s2] =	stream.indirect.scatter.add.f32 [tilespmem:s12], [sflag:$0x9], $0x80, s29, s10, $0xb8;
	[tilespmem:$0x1E400] =	vst v63  }
0x76: {  	p0 =	seq.s32 s7, $0x4B0;
	_ =	swait.ge [sflag:s24], $0x2800  }
0x77: {  	s22 =	simm.s32 @!p0 $0x0;
	[sflag:s24] =	ssyncset.done $0x0  }
0x78: {  	s11 =	sadd.s32 @!p0 s7, s18;
	s29 =	simm.s32 @!p0 $0xA080;
	[sflag:s24] =	ssyncadd.s32 $0xFFFFD800  }
0x79: {  	[tilespmem:s29], [sflag:$0x6] =	stream.linear.gather @!p0 [hbm4b:s11+s22], $0x50, $0x38;
	[tilespmem:$0x1E400] =	vst v63  }
0x7a: {  	s11 =	sadd.s32 @!p0 s7, s19  }
0x7b: {  	s29 =	simm.s32 @!p0 $0xA280;
	s11 =	sadd.s32 @!p0 $0x32, s11  }
0x7c: {  	[tilespmem:s29], [sflag:$0x6] =	stream.linear.gather @!p0 [hbm4b:s11+s22], $0x50, $0x38;
	[tilespmem:$0x1E400] =	vst v63  }
0x7d: {  	_ =	swait.ge [sflag:s9], $0x2800  }
0x7e: {  	[sflag:s9] =	ssyncset.done $0x0  }
0x7f: {  	[sflag:s9] =	ssyncadd.s32 $0xFFFFD800  }
0x80: {  	_ =	swait.ge [sflag:s6], $0x50  }
0x81: {  	[sflag:s6] =	ssyncset.done $0x0  }
0x82: {  	[sflag:s6] =	ssyncadd.s32 $0xFFFFFFB0  }
0x83: {  	_ =	swait.ge [sflag:s6], $0x50  }
0x84: {  	[sflag:s6] =	ssyncset.done $0x0  }
0x85: {  	[sflag:s6] =	ssyncadd.s32 $0xFFFFFFB0  }
0x86: {  	[tilespmem:s3], [sflag:$0x1] =	stream.indirect.gather [hbm4b:s4+s10], $0x80, s25, s10, $0xb8;
	[tilespmem:$0x1E400] =	vst v63  }
0x87: {  	_ = 	snop  }
0x88: {  	[spmem:s2] =	stream.indirect.scatter.add.f32 [tilespmem:s15], [sflag:$0x9], $0x80, s31, s10, $0xb8;
	[tilespmem:$0x1E400] =	vst v63  }
0x89: {  	p1 =	sne.s32 s7, $0x4B0;
	_ =	swait.ge [sflag:s24], $0x2800  }
0x8a: {  	s11 =	sadd.s32 @p1 s7, s20;
	[sflag:s24] =	ssyncset.done $0x0  }
0x8b: {  	s22 =	simm.s32 @p1 $0x0;
	s29 =	simm.s32 @p1 $0xA100;
	[sflag:s24] =	ssyncadd.s32 $0xFFFFD800  }
0x8c: {  	[tilespmem:s29], [sflag:$0x7] =	stream.linear.gather @p1 [hbm4b:s11+s22], $0x50, $0x38;
	[tilespmem:$0x1E400] =	vst v63  }
0x8d: {  	s11 =	sadd.s32 @p1 s7, s19  }
0x8e: {  	s29 =	simm.s32 @p1 $0xA300;
	s11 =	sadd.s32 @p1 $0x3C, s11  }
0x8f: {  	[tilespmem:s29], [sflag:$0x7] =	stream.linear.gather @p1 [hbm4b:s11+s22], $0x50, $0x38;
	[tilespmem:$0x1E400] =	vst v63  }
0x90: {  	s11 =	simm.s32 @p1 $0x4  }
0x91: {  	_ =	swait.ge @p1 [sflag:s11], $0x2800  }
0x92: {  	[sflag:s11] =	ssyncset.done @p1 $0x0  }
0x93: {  	[sflag:s11] =	ssyncadd.s32 @p1 $0xFFFFD800;
	s11 =	simm.s32 @p1 $0x6  }
0x94: {  	_ =	swait.ge @p1 [sflag:s11], $0x50  }
0x95: {  	[sflag:s11] =	ssyncset.done @p1 $0x0  }
0x96: {  	[sflag:s11] =	ssyncadd.s32 @p1 $0xFFFFFFB0  }
0x97: {  	_ =	swait.ge @p1 [sflag:s11], $0x50  }
0x98: {  	s22 =	simm.s32 @p1 $0xA080;
	[sflag:s11] =	ssyncset.done @p1 $0x0  }
0x99: {  	s29 =	simm.s32 @p1 $0x2800;
	[sflag:s11] =	ssyncadd.s32 @p1 $0xFFFFFFB0;
	s11 =	simm.s32 @p1 $0x50  }
0x9a: {  	[tilespmem:s29], [sflag:$0x2] =	stream.indirect.gather @p1 [hbm4b:s4+s11], $0x80, s22, s11, $0xb8;
	[tilespmem:$0x1E400] =	vst v63  }
0x9b: {  	s11 =	simm.s32 @!p1 $0x4  }
0x9c: {  	_ =	swait.ge @!p1 [sflag:s11], $0x2800  }
0x9d: {  	[sflag:s11] =	ssyncset.done @!p1 $0x0  }
.Ltmp2:
0x9e: {  	[sflag:s11] =	ssyncadd.s32 @!p1 $0xFFFFD800;
	(pc) =	sbr.rel @p0 .LBB2_4-.Ltmp2, $4  }
0x9f: {  	[spmem:s2] =	stream.indirect.scatter.add.f32 [tilespmem:s8], [sflag:$0x9], $0x80, s1, s10, $0xb8;
	[tilespmem:$0x1E400] =	vst v63  }
0xa0: {  	_ =	swait.ge [sflag:s24], $0x2800  }
0xa1: {  	[sflag:s24] =	ssyncset.done $0x0  }
0xa2: {  	[sflag:s24] =	ssyncadd.s32 $0xFFFFD800  }
.Ltmp3:
0xa3: {  	(pc) =	sbr.rel .LBB2_2-.Ltmp3, $4  }
0xa4: {  	s11 =	sadd.s32 s7, s21  }
0xa5: {  	[tilespmem:s0], [sflag:$0x8] =	stream.linear.gather [hbm4b:s11+s3], $0x50, $0x38;
	[tilespmem:$0x1E400] =	vst v63  }
0xa6: {  	s29 =	sadd.s32 $0x46, s23;
	s7 =	sadd.s32 $0x28, s7;
	s28 =	sadd.s32 $0x140, s28  }
0xa7: {  	[tilespmem:s1], [sflag:$0x8] =	stream.linear.gather [hbm4b:s29+s3], $0x50, $0x38;
	[tilespmem:$0x1E400] =	vst v63  }
.LBB2_5:
0xa8: {  	_ =	sfence.sel $0x180000  }
0xa9: {  	[bflag:$0x0] =	sbarrier.arrive $0xFFFF  }
0xaa: {  	_ =	strace $0x90000047  }
0xab: {  	s0 =	stileid.u32;
	[bflag:$0x2] =	sbarrier.arrive $0xFFFF  }
0xac: {  	p0 =	sne.s32 s0, $0x0;
	s0 =	rddreg [dreg:$0x2]  }
0xad: {  	s0 =	sadd.s32 @!p0 $0x100000, s0  }
0xae: {  	[sflag:s0] =	ssyncadd.tile.s32 @!p0 $0x1;
	_ =	shalt  }
.Lfunc_end2:
_tile_overlayer_lowered:
.L_overlay_start_2:
0xaf: {  	(tag) =	ssettag $0x2  }
0xb0: {  	s0 =	rddreg [dreg:$0x0];
	s2 =	stileid.u32  }
0xb1: {  	s1 =	rddreg [dreg:$0x1];
	p0 =	sne.s32 s2, $0x0  }
0xb2: {  	s3 =	rddreg [dreg:$0x2];
	[bflag:$0x3] =	sbarrier.arrive $0xFFFF;
	s2 =	simm.s32 @!p0 $0x1C09  }
0xb3: {  	[timem:s3], [sflag:s2] =	dma.local @!p0 [hbm:s0], s1  }
0xb4: {  	s0 =	simm.s32 @!p0 $0x9  }
0xb5: {  	_ =	swait.ge @!p0 [sflag:s0], s1  }
0xb6: {  	s1 =	ssub.s32 @!p0 $0x0, s1;
	[sflag:s0] =	ssyncset.done @!p0 $0x0  }
0xb7: {  	[sflag:s0] =	ssyncadd.s32 @!p0 s1  }
0xb8: {  	[bflag:$0x3] =	sbarrier.arrive $0xFFFF  }
0xb9: {  	_ =	shalt  }

</sc_bundles>
